<compile_context>
chip_gen: v7x
topology: tpu7x:2x2x1
jax: 0.10.2.dev20260603
libtpu: 0.0.44.dev20260713+nightly
codegen_flags: <defaults>
</compile_context>

<pallas_src>
import functools

import jax
import jax.numpy as jnp
from jax import lax
from jax.experimental import pallas as pl
from jax.experimental.pallas import tpu as pltpu
from jax.experimental.pallas import tpu_sc as plsc

N = 10000
NPAD = 10112
E = 320000
D = 128
NG = 64
NTILES = 32
EPT = E // NTILES
C = 128
NCH = 80
SEG = NCH // 2
EPTP = NCH * C
RPT = NPAD // 16
HW = 128

_mesh = functools.partial(
    plsc.VectorSubcoreMesh, core_axis_name="c", subcore_axis_name="s")


def _zero_acc_slice(zeros_hbm, acc_sh, base):
    for k in range(RPT // 128):
        pltpu.sync_copy(zeros_hbm, acc_sh.at[pl.ds(base + k * 128, 128)])
    rem = RPT % 128
    if rem:
        pltpu.sync_copy(zeros_hbm.at[pl.ds(0, rem)],
                        acc_sh.at[pl.ds(base + (RPT // 128) * 128, rem)])



def _hist_body(dst_hbm, zeros_hbm, out_hbm, idx_v, hist_v, sem):
    c = lax.axis_index("c")
    s = lax.axis_index("s")
    wid = c * 16 + s
    pltpu.sync_copy(zeros_hbm, hist_v)
    pltpu.sync_copy(dst_hbm.at[wid], idx_v)
    ones = jnp.ones((16,), jnp.float32)

    def step(j, carry):
        plsc.addupdate_scatter(hist_v, [idx_v[j]], ones)
        return carry

    lax.fori_loop(0, EPT // 16, step, 0)
    pltpu.sync_copy(hist_v, out_hbm.at[wid])


@functools.partial(
    pl.kernel,
    mesh=_mesh(),
    out_type=jax.ShapeDtypeStruct((NTILES, NPAD), jnp.float32),
    compiler_params=pltpu.CompilerParams(needs_layout_passes=False),
    scratch_types=[
        pltpu.VMEM((EPT // 16, 16), jnp.int32),
        pltpu.VMEM((NPAD,), jnp.float32),
        pltpu.SemaphoreType.DMA,
    ],
)
def _sc_hist(dst_hbm, zeros_hbm, out_hbm, idx_v, hist_v, sem):
    _hist_body(dst_hbm, zeros_hbm, out_hbm, idx_v, hist_v, sem)



def _matmul_body(x_ref, W_ref, h_ref):
    h_ref[...] = jax.lax.dot_general(
        x_ref[...], W_ref[...], (((1,), (0,)), ((), ())),
        preferred_element_type=jnp.float32)


def _tc_matmul(x, W_conv):
    return pl.pallas_call(
        _matmul_body,
        out_shape=jax.ShapeDtypeStruct((N, D), jnp.float32),
    )(x, W_conv)


def _mid_body(x_ref, W_ref, hist_ref, g_ref, dinv_ref):
    ones_col = jnp.ones((NTILES, 1), jnp.float32)
    deg = jax.lax.dot_general(hist_ref[...], ones_col, (((0,), (0,)), ((), ())),
                              preferred_element_type=jnp.float32) + 1.0
    dinv = jax.lax.rsqrt(deg)
    dinv_ref[...] = dinv
    h = jax.lax.dot_general(x_ref[...], W_ref[...], (((1,), (0,)), ((), ())),
                            preferred_element_type=jnp.float32)
    g_ref[:N, :] = h * dinv[:N]
    g_ref[N:, :] = jnp.zeros((NPAD - N, D), jnp.float32)


def _tc_mid(x, W_conv, hist):
    return pl.pallas_call(
        _mid_body,
        out_shape=(jax.ShapeDtypeStruct((NPAD, D), jnp.float32),
                   jax.ShapeDtypeStruct((NPAD, 1), jnp.float32)),
    )(x, W_conv, hist)



def _scat_body(g_hbm, src_hbm, dst_hbm, zeros_hbm, out_hbm,
               src_v, dst_v, buf0, acc_sh, sem0):
    c = lax.axis_index("c")
    s = lax.axis_index("s")
    wid = c * 16 + s
    base = s * RPT
    _zero_acc_slice(zeros_hbm, acc_sh, base)
    pltpu.sync_copy(src_hbm.at[wid], src_v)
    pltpu.sync_copy(dst_hbm.at[wid], dst_v)
    plsc.subcore_barrier()

    def step(j, carry):
        pltpu.async_copy(g_hbm.at[src_v.at[j]], buf0, sem0).wait()
        pltpu.sync_copy(buf0, acc_sh.at[dst_v.at[j]], add=True)
        return carry

    lax.fori_loop(0, NCH, step, 0)
    plsc.subcore_barrier()
    pltpu.sync_copy(acc_sh.at[pl.ds(base, RPT)],
                    out_hbm.at[c].at[pl.ds(base, RPT)])


@functools.partial(
    pl.kernel,
    mesh=_mesh(),
    out_type=jax.ShapeDtypeStruct((2, NPAD, D), jnp.float32),
    scratch_types=[
        pltpu.VMEM((NCH, C), jnp.int32),
        pltpu.VMEM((NCH, C), jnp.int32),
        pltpu.VMEM((C, D), jnp.float32),
        pltpu.VMEM_SHARED((NPAD, D), jnp.float32),
        pltpu.SemaphoreType.DMA,
    ],
)
def _sc_scatter(g_hbm, src_hbm, dst_hbm, zeros_hbm, out_hbm,
                src_v, dst_v, buf0, acc_sh, sem0):
    _scat_body(g_hbm, src_hbm, dst_hbm, zeros_hbm, out_hbm,
               src_v, dst_v, buf0, acc_sh, sem0)



def _finish_body(parts_ref, g_ref, dinv_ref, batch_ref, b_conv_ref,
                 W1_ref, b1_ref, W2_ref, b2_ref, out_ref):
    acc = parts_ref[0, :N, :] + parts_ref[1, :N, :] + g_ref[:N, :]
    out_node = jnp.maximum(acc * dinv_ref[:N] + b_conv_ref[...], 0.0)
    gids = jax.lax.broadcasted_iota(jnp.int32, (N, NG), 1)
    P = jnp.where(batch_ref[...] == gids, 1.0, 0.0)
    sums = jax.lax.dot_general(P, out_node, (((0,), (0,)), ((), ())),
                               preferred_element_type=jnp.float32)
    cnts = jnp.sum(P, axis=0, keepdims=True)
    pooled = sums / jnp.maximum(cnts, 1.0).T
    z = jnp.maximum(
        jax.lax.dot_general(pooled, W1_ref[...], (((1,), (0,)), ((), ())),
                            preferred_element_type=jnp.float32) + b1_ref[...], 0.0)
    out_ref[...] = jax.lax.dot_general(z, W2_ref[...], (((1,), (0,)), ((), ())),
                                       preferred_element_type=jnp.float32) + b2_ref[...]


def _finish(parts, g, dinv, batch, b_conv, W1, b1, W2, b2):
    return pl.pallas_call(
        _finish_body,
        out_shape=jax.ShapeDtypeStruct((NG, 10), jnp.float32),
    )(parts, g, dinv, batch.reshape(N, 1), b_conv.reshape(1, -1),
      W1, b1.reshape(1, -1), W2, b2.reshape(1, -1))


def kernel(x, edge_index, batch, W_conv, b_conv, W1, b1, W2, b2):
    src = edge_index[0]
    dst = edge_index[1]
    pad = jnp.full((NTILES, EPTP - EPT), N, jnp.int32)
    src3 = jnp.concatenate([src.reshape(NTILES, EPT), pad], 1).reshape(
        NTILES, NCH, C)
    dst3 = jnp.concatenate([dst.reshape(NTILES, EPT), pad], 1).reshape(
        NTILES, NCH, C)
    dst2 = dst.reshape(NTILES, EPT // 16, 16)
    zeros1 = jnp.zeros((NPAD,), jnp.float32)
    hist = _sc_hist(dst2, zeros1)
    g_pad, dinv = _tc_mid(x, W_conv, hist)
    zeros2d = jnp.zeros((128, D), jnp.float32)
    parts = _sc_scatter(g_pad, src3, dst3, zeros2d)
    return _finish(parts, g_pad, dinv, batch, b_conv, W1, b1, W2, b2)

# --- scband reference (transcript-rebuilt; emitter-appended) ---
"""Pipeline reference for scband-gnnbaseline-8899172237601 (READ-ONLY COPY).

The authoritative reference and input builder live on the scoring server;
editing this copy changes nothing except your own understanding.
"""

import jax, jax.numpy as jnp
import numpy as np

N = 10000
E = 320000
D_IN = 128
D_HID = 128
N_GRAPHS = 64
N_CLASSES = 10


def setup_inputs(seed: int = 0) -> dict:
    key = jax.random.key(seed)
    ks = jax.random.split(key, 9)
    x = jax.random.normal(ks[0], (N, D_IN), dtype=jnp.float32)
    edge_index = jax.random.randint(ks[1], (2, E), 0, N, dtype=jnp.int32)
    batch = jnp.sort(jax.random.randint(ks[2], (N,), 0, N_GRAPHS, dtype=jnp.int32))
    s1 = 1.0 / np.sqrt(D_IN)
    W_conv = jax.random.uniform(ks[3], (D_IN, D_HID), dtype=jnp.float32, minval=-s1, maxval=s1)
    b_conv = jnp.zeros((D_HID,), dtype=jnp.float32)
    s2 = 1.0 / np.sqrt(D_HID)
    W1 = jax.random.uniform(ks[4], (D_HID, 16), dtype=jnp.float32, minval=-s2, maxval=s2)
    b1 = jax.random.uniform(ks[5], (16,), dtype=jnp.float32, minval=-s2, maxval=s2)
    s3 = 1.0 / np.sqrt(16)
    W2 = jax.random.uniform(ks[6], (16, N_CLASSES), dtype=jnp.float32, minval=-s3, maxval=s3)
    b2 = jax.random.uniform(ks[7], (N_CLASSES,), dtype=jnp.float32, minval=-s3, maxval=s3)
    return {"x": x, "edge_index": edge_index, "batch": batch,
            "W_conv": W_conv, "b_conv": b_conv,
            "W1": W1, "b1": b1, "W2": W2, "b2": b2}


def reference(x, edge_index, batch, W_conv, b_conv, W1, b1, W2, b2):
    n = x.shape[0]
    src = edge_index[0]
    dst = edge_index[1]
    # GCNConv with self-loops and symmetric normalization
    loop = jnp.arange(n, dtype=src.dtype)
    src_a = jnp.concatenate([src, loop])
    dst_a = jnp.concatenate([dst, loop])
    deg = jax.ops.segment_sum(jnp.ones_like(src_a, dtype=x.dtype), dst_a, num_segments=n)
    dinv_sqrt = jnp.where(deg > 0, 1.0 / jnp.sqrt(deg), 0.0)
    norm = dinv_sqrt[src_a] * dinv_sqrt[dst_a]
    h = x @ W_conv
    msg = h[src_a] * norm[:, None]
    out = jax.ops.segment_sum(msg, dst_a, num_segments=n) + b_conv
    out = jax.nn.relu(out)
    # global_mean_pool over graphs
    sums = jax.ops.segment_sum(out, batch, num_segments=N_GRAPHS)
    cnts = jax.ops.segment_sum(jnp.ones((n,), dtype=out.dtype), batch, num_segments=N_GRAPHS)
    pooled = sums / jnp.maximum(cnts, 1.0)[:, None]
    # classifier
    z = jax.nn.relu(pooled @ W1 + b1)
    return z @ W2 + b2

if __name__ == "__main__":
    import jax
    _d = setup_inputs()
    print(jax.jit(kernel)(*tuple(_d.values())))

</pallas_src>

<mosaic_0001>
#map = affine_map<(d0, d1) -> (0, 0, 0)>
#map1 = affine_map<(d0, d1) -> (0)>
#map2 = affine_map<(d0, d1) -> (0, 0)>
module attributes {stable_mosaic.version = 14 : i64} {
  func.func @_sc_hist(%arg0: i32, %arg1: i32, %arg2: memref<32x625x16xi32, #tpu.memory_space<hbm>>, %arg3: memref<10112xf32, #tpu.memory_space<hbm>>, %arg4: memref<32x10112xf32, #tpu.memory_space<hbm>>, %arg5: memref<625x16xi32, #tpu.memory_space<vmem>>, %arg6: memref<10112xf32, #tpu.memory_space<vmem>>, %arg7: memref<!tpu.dma_semaphore, #tpu.memory_space<semaphore_mem>>) attributes {dimension_semantics = [#tpu.dimension_semantics<core_parallel>, #tpu.dimension_semantics<subcore_parallel>], iteration_bounds = array<i64: 2, 16>, scalar_prefetch = 0 : i64, scratch_operands = 3 : i64, tpu.core_type = #tpu.core_type<sc_vector_subcore>, window_params = [{transform_indices = #map}, {transform_indices = #map1}, {transform_indices = #map2}]} {
    %mul3A = arith.constant 16 : i32
    %mul3A_0 = arith.muli %arg0, %mul3A : i32
    %add3A = arith.addi %mul3A_0, %arg1 : i32
    "tpu.region"() ({
      %run_scoped3A = tpu.sem_alloc : memref<!tpu.dma_semaphore, #tpu.memory_space<semaphore_mem>>
      tpu.enqueue_dma source(%arg3 : memref<10112xf32, #tpu.memory_space<hbm>>) target(%arg6 : memref<10112xf32, #tpu.memory_space<vmem>>) target_semaphore(%run_scoped3A : memref<!tpu.dma_semaphore, #tpu.memory_space<semaphore_mem>>)
      tpu.wait_dma2 semaphore(%run_scoped3A : memref<!tpu.dma_semaphore, #tpu.memory_space<semaphore_mem>>) src(%arg3 : memref<10112xf32, #tpu.memory_space<hbm>>) dst(%arg6 : memref<10112xf32, #tpu.memory_space<vmem>>)
      tpu.yield
    }) : () -> ()
    "tpu.region"() ({
      %run_scoped3A = tpu.sem_alloc : memref<!tpu.dma_semaphore, #tpu.memory_space<semaphore_mem>>
      %dma_start3A = arith.constant 0 : i32
      %dma_start3A_7 = arith.constant 0 : i32
      %dma_start3A_8 = tpu.memref_slice %arg2[%add3A, %dma_start3A, %dma_start3A_7] : memref<32x625x16xi32, #tpu.memory_space<hbm>> -> memref<1x625x16xi32, #tpu.memory_space<hbm>>
      %dma_start3A_9 = tpu.memref_squeeze %dma_start3A_8 : memref<1x625x16xi32, #tpu.memory_space<hbm>> -> memref<625x16xi32, #tpu.memory_space<hbm>>
      %dma_start3A_10 = arith.constant 0 : i32
      %dma_start3A_11 = arith.constant 0 : i32
      %dma_start3A_12 = tpu.memref_slice %arg2[%add3A, %dma_start3A_10, %dma_start3A_11] : memref<32x625x16xi32, #tpu.memory_space<hbm>> -> memref<1x625x16xi32, #tpu.memory_space<hbm>>
      %dma_start3A_13 = tpu.memref_squeeze %dma_start3A_12 : memref<1x625x16xi32, #tpu.memory_space<hbm>> -> memref<625x16xi32, #tpu.memory_space<hbm>>
      tpu.enqueue_dma source(%dma_start3A_13 : memref<625x16xi32, #tpu.memory_space<hbm>>) target(%arg5 : memref<625x16xi32, #tpu.memory_space<vmem>>) target_semaphore(%run_scoped3A : memref<!tpu.dma_semaphore, #tpu.memory_space<semaphore_mem>>)
      %dma_wait3A = arith.constant 0 : i32
      %dma_wait3A_14 = arith.constant 0 : i32
      %dma_wait3A_15 = tpu.memref_slice %arg2[%add3A, %dma_wait3A, %dma_wait3A_14] : memref<32x625x16xi32, #tpu.memory_space<hbm>> -> memref<1x625x16xi32, #tpu.memory_space<hbm>>
      %dma_wait3A_16 = tpu.memref_squeeze %dma_wait3A_15 : memref<1x625x16xi32, #tpu.memory_space<hbm>> -> memref<625x16xi32, #tpu.memory_space<hbm>>
      %dma_wait3A_17 = arith.constant 0 : i32
      %dma_wait3A_18 = arith.constant 0 : i32
      %dma_wait3A_19 = tpu.memref_slice %arg2[%add3A, %dma_wait3A_17, %dma_wait3A_18] : memref<32x625x16xi32, #tpu.memory_space<hbm>> -> memref<1x625x16xi32, #tpu.memory_space<hbm>>
      %dma_wait3A_20 = tpu.memref_squeeze %dma_wait3A_19 : memref<1x625x16xi32, #tpu.memory_space<hbm>> -> memref<625x16xi32, #tpu.memory_space<hbm>>
      tpu.wait_dma2 semaphore(%run_scoped3A : memref<!tpu.dma_semaphore, #tpu.memory_space<semaphore_mem>>) src(%dma_wait3A_20 : memref<625x16xi32, #tpu.memory_space<hbm>>) dst(%arg5 : memref<625x16xi32, #tpu.memory_space<vmem>>)
      tpu.yield
    }) : () -> ()
    %broadcast_in_dim3A = arith.constant 1.000000e+00 : f32
    %broadcast_in_dim3A_1 = vector.broadcast %broadcast_in_dim3A : f32 to vector<16xf32>
    %scan3A = arith.constant 0 : i32
    %scan3A_2 = arith.constant 0 : i32
    %scan3A_3 = arith.constant 625 : i32
    %scan3A_4 = arith.addi %scan3A_2, %scan3A_3 : i32
    %scan3A_5 = arith.constant 1 : i32
    scf.for %scan3A_7 = %scan3A_2 to %scan3A_4 step %scan3A_5  : i32 {
      %get3A = arith.index_cast %scan3A_7 : i32 to index
      %get3A_8 = arith.constant 0 : index
      %get3A_9 = tpu.vector_load %arg5[%get3A, %get3A_8] {strides = array<i32>} : memref<625x16xi32, #tpu.memory_space<vmem>>, vector<16xi32>,
      tpu.vector_store_idx %arg6[%get3A_9], %broadcast_in_dim3A_1 {add = true} : memref<10112xf32, #tpu.memory_space<vmem>>[vector<16xi32>], vector<16xf32>,
    }
    %scan3A_6 = arith.constant 625 : i32
    "tpu.region"() ({
      %run_scoped3A = tpu.sem_alloc : memref<!tpu.dma_semaphore, #tpu.memory_space<semaphore_mem>>
      %dma_start3A = arith.constant 0 : i32
      %dma_start3A_7 = tpu.memref_slice %arg4[%add3A, %dma_start3A] : memref<32x10112xf32, #tpu.memory_space<hbm>> -> memref<1x10112xf32, #tpu.memory_space<hbm>>
      %dma_start3A_8 = tpu.memref_squeeze %dma_start3A_7 : memref<1x10112xf32, #tpu.memory_space<hbm>> -> memref<10112xf32, #tpu.memory_space<hbm>>
      %dma_start3A_9 = arith.constant 0 : i32
      %dma_start3A_10 = tpu.memref_slice %arg4[%add3A, %dma_start3A_9] : memref<32x10112xf32, #tpu.memory_space<hbm>> -> memref<1x10112xf32, #tpu.memory_space<hbm>>
      %dma_start3A_11 = tpu.memref_squeeze %dma_start3A_10 : memref<1x10112xf32, #tpu.memory_space<hbm>> -> memref<10112xf32, #tpu.memory_space<hbm>>
      tpu.enqueue_dma source(%arg6 : memref<10112xf32, #tpu.memory_space<vmem>>) target(%dma_start3A_11 : memref<10112xf32, #tpu.memory_space<hbm>>) target_semaphore(%run_scoped3A : memref<!tpu.dma_semaphore, #tpu.memory_space<semaphore_mem>>)
      %dma_wait3A = arith.constant 0 : i32
      %dma_wait3A_12 = tpu.memref_slice %arg4[%add3A, %dma_wait3A] : memref<32x10112xf32, #tpu.memory_space<hbm>> -> memref<1x10112xf32, #tpu.memory_space<hbm>>
      %dma_wait3A_13 = tpu.memref_squeeze %dma_wait3A_12 : memref<1x10112xf32, #tpu.memory_space<hbm>> -> memref<10112xf32, #tpu.memory_space<hbm>>
      %dma_wait3A_14 = arith.constant 0 : i32
      %dma_wait3A_15 = tpu.memref_slice %arg4[%add3A, %dma_wait3A_14] : memref<32x10112xf32, #tpu.memory_space<hbm>> -> memref<1x10112xf32, #tpu.memory_space<hbm>>
      %dma_wait3A_16 = tpu.memref_squeeze %dma_wait3A_15 : memref<1x10112xf32, #tpu.memory_space<hbm>> -> memref<10112xf32, #tpu.memory_space<hbm>>
      tpu.wait_dma2 semaphore(%run_scoped3A : memref<!tpu.dma_semaphore, #tpu.memory_space<semaphore_mem>>) src(%arg6 : memref<10112xf32, #tpu.memory_space<vmem>>) dst(%dma_wait3A_16 : memref<10112xf32, #tpu.memory_space<hbm>>)
      tpu.yield
    }) : () -> ()
    return
  }
}

#map = affine_map<(d0, d1) -> (0, 0)>
#map1 = affine_map<(d0, d1) -> (0, 0, 0)>
module attributes {stable_mosaic.version = 14 : i64} {
  func.func @_sc_scatter(%arg0: i32, %arg1: i32, %arg2: memref<10112x128xf32, #tpu.memory_space<hbm>>, %arg3: memref<32x80x128xi32, #tpu.memory_space<hbm>>, %arg4: memref<32x80x128xi32, #tpu.memory_space<hbm>>, %arg5: memref<128x128xf32, #tpu.memory_space<hbm>>, %arg6: memref<2x10112x128xf32, #tpu.memory_space<hbm>>, %arg7: memref<80x128xi32, #tpu.memory_space<vmem>>, %arg8: memref<80x128xi32, #tpu.memory_space<vmem>>, %arg9: memref<128x128xf32, #tpu.memory_space<vmem>>, %arg10: memref<10112x128xf32, #tpu.memory_space<vmem_shared>>, %arg11: memref<!tpu.dma_semaphore, #tpu.memory_space<semaphore_mem>>) attributes {dimension_semantics = [#tpu.dimension_semantics<core_parallel>, #tpu.dimension_semantics<subcore_parallel>], iteration_bounds = array<i64: 2, 16>, scalar_prefetch = 0 : i64, scratch_operands = 5 : i64, tpu.core_type = #tpu.core_type<sc_vector_subcore>, window_params = [{transform_indices = #map}, {transform_indices = #map1}, {transform_indices = #map1}, {transform_indices = #map}, {transform_indices = #map1}]} {
    %mul3A = arith.constant 16 : i32
    %mul3A_0 = arith.muli %arg0, %mul3A : i32
    %add3A = arith.addi %mul3A_0, %arg1 : i32
    %mul3A_1 = arith.constant 632 : i32
    %mul3A_2 = arith.muli %arg1, %mul3A_1 : i32
    %add3A_3 = arith.constant 0 : i32
    %add3A_4 = arith.addi %mul3A_2, %add3A_3 : i32
    "tpu.region"() ({
      %run_scoped3A = tpu.sem_alloc : memref<!tpu.dma_semaphore, #tpu.memory_space<semaphore_mem>>
      %dma_start3A = arith.constant 0 : i32
      %dma_start3A_19 = tpu.memref_slice %arg10[%add3A_4, %dma_start3A] : memref<10112x128xf32, #tpu.memory_space<vmem_shared>> -> memref<128x128xf32, #tpu.memory_space<vmem_shared>>
      tpu.enqueue_dma source(%arg5 : memref<128x128xf32, #tpu.memory_space<hbm>>) target(%dma_start3A_19 : memref<128x128xf32, #tpu.memory_space<vmem_shared>>) target_semaphore(%run_scoped3A : memref<!tpu.dma_semaphore, #tpu.memory_space<semaphore_mem>>)
      %dma_wait3A = arith.constant 0 : i32
      %dma_wait3A_20 = tpu.memref_slice %arg10[%add3A_4, %dma_wait3A] : memref<10112x128xf32, #tpu.memory_space<vmem_shared>> -> memref<128x128xf32, #tpu.memory_space<vmem_shared>>
      tpu.wait_dma2 semaphore(%run_scoped3A : memref<!tpu.dma_semaphore, #tpu.memory_space<semaphore_mem>>) src(%arg5 : memref<128x128xf32, #tpu.memory_space<hbm>>) dst(%dma_wait3A_20 : memref<128x128xf32, #tpu.memory_space<vmem_shared>>)
      tpu.yield
    }) : () -> ()
    %add3A_5 = arith.constant 128 : i32
    %add3A_6 = arith.addi %mul3A_2, %add3A_5 : i32
    "tpu.region"() ({
      %run_scoped3A = tpu.sem_alloc : memref<!tpu.dma_semaphore, #tpu.memory_space<semaphore_mem>>
      %dma_start3A = arith.constant 0 : i32
      %dma_start3A_19 = tpu.memref_slice %arg10[%add3A_6, %dma_start3A] : memref<10112x128xf32, #tpu.memory_space<vmem_shared>> -> memref<128x128xf32, #tpu.memory_space<vmem_shared>>
      tpu.enqueue_dma source(%arg5 : memref<128x128xf32, #tpu.memory_space<hbm>>) target(%dma_start3A_19 : memref<128x128xf32, #tpu.memory_space<vmem_shared>>) target_semaphore(%run_scoped3A : memref<!tpu.dma_semaphore, #tpu.memory_space<semaphore_mem>>)
      %dma_wait3A = arith.constant 0 : i32
      %dma_wait3A_20 = tpu.memref_slice %arg10[%add3A_6, %dma_wait3A] : memref<10112x128xf32, #tpu.memory_space<vmem_shared>> -> memref<128x128xf32, #tpu.memory_space<vmem_shared>>
      tpu.wait_dma2 semaphore(%run_scoped3A : memref<!tpu.dma_semaphore, #tpu.memory_space<semaphore_mem>>) src(%arg5 : memref<128x128xf32, #tpu.memory_space<hbm>>) dst(%dma_wait3A_20 : memref<128x128xf32, #tpu.memory_space<vmem_shared>>)
      tpu.yield
    }) : () -> ()
    %add3A_7 = arith.constant 256 : i32
    %add3A_8 = arith.addi %mul3A_2, %add3A_7 : i32
    "tpu.region"() ({
      %run_scoped3A = tpu.sem_alloc : memref<!tpu.dma_semaphore, #tpu.memory_space<semaphore_mem>>
      %dma_start3A = arith.constant 0 : i32
      %dma_start3A_19 = tpu.memref_slice %arg10[%add3A_8, %dma_start3A] : memref<10112x128xf32, #tpu.memory_space<vmem_shared>> -> memref<128x128xf32, #tpu.memory_space<vmem_shared>>
      tpu.enqueue_dma source(%arg5 : memref<128x128xf32, #tpu.memory_space<hbm>>) target(%dma_start3A_19 : memref<128x128xf32, #tpu.memory_space<vmem_shared>>) target_semaphore(%run_scoped3A : memref<!tpu.dma_semaphore, #tpu.memory_space<semaphore_mem>>)
      %dma_wait3A = arith.constant 0 : i32
      %dma_wait3A_20 = tpu.memref_slice %arg10[%add3A_8, %dma_wait3A] : memref<10112x128xf32, #tpu.memory_space<vmem_shared>> -> memref<128x128xf32, #tpu.memory_space<vmem_shared>>
      tpu.wait_dma2 semaphore(%run_scoped3A : memref<!tpu.dma_semaphore, #tpu.memory_space<semaphore_mem>>) src(%arg5 : memref<128x128xf32, #tpu.memory_space<hbm>>) dst(%dma_wait3A_20 : memref<128x128xf32, #tpu.memory_space<vmem_shared>>)
      tpu.yield
    }) : () -> ()
    %add3A_9 = arith.constant 384 : i32
    %add3A_10 = arith.addi %mul3A_2, %add3A_9 : i32
    "tpu.region"() ({
      %run_scoped3A = tpu.sem_alloc : memref<!tpu.dma_semaphore, #tpu.memory_space<semaphore_mem>>
      %dma_start3A = arith.constant 0 : i32
      %dma_start3A_19 = tpu.memref_slice %arg10[%add3A_10, %dma_start3A] : memref<10112x128xf32, #tpu.memory_space<vmem_shared>> -> memref<128x128xf32, #tpu.memory_space<vmem_shared>>
      tpu.enqueue_dma source(%arg5 : memref<128x128xf32, #tpu.memory_space<hbm>>) target(%dma_start3A_19 : memref<128x128xf32, #tpu.memory_space<vmem_shared>>) target_semaphore(%run_scoped3A : memref<!tpu.dma_semaphore, #tpu.memory_space<semaphore_mem>>)
      %dma_wait3A = arith.constant 0 : i32
      %dma_wait3A_20 = tpu.memref_slice %arg10[%add3A_10, %dma_wait3A] : memref<10112x128xf32, #tpu.memory_space<vmem_shared>> -> memref<128x128xf32, #tpu.memory_space<vmem_shared>>
      tpu.wait_dma2 semaphore(%run_scoped3A : memref<!tpu.dma_semaphore, #tpu.memory_space<semaphore_mem>>) src(%arg5 : memref<128x128xf32, #tpu.memory_space<hbm>>) dst(%dma_wait3A_20 : memref<128x128xf32, #tpu.memory_space<vmem_shared>>)
      tpu.yield
    }) : () -> ()
    %add3A_11 = arith.constant 512 : i32
    %add3A_12 = arith.addi %mul3A_2, %add3A_11 : i32
    "tpu.region"() ({
      %run_scoped3A = tpu.sem_alloc : memref<!tpu.dma_semaphore, #tpu.memory_space<semaphore_mem>>
      %dma_start3A = arith.constant 0 : i32
      %dma_start3A_19 = tpu.memref_slice %arg10[%add3A_12, %dma_start3A] : memref<10112x128xf32, #tpu.memory_space<vmem_shared>> -> memref<120x128xf32, #tpu.memory_space<vmem_shared>>
      %dma_start3A_20 = arith.constant 0 : i32
      %dma_start3A_21 = arith.constant 0 : i32
      %dma_start3A_22 = tpu.memref_slice %arg5[%dma_start3A_20, %dma_start3A_21] : memref<128x128xf32, #tpu.memory_space<hbm>> -> memref<120x128xf32, #tpu.memory_space<hbm>>
      tpu.enqueue_dma source(%dma_start3A_22 : memref<120x128xf32, #tpu.memory_space<hbm>>) target(%dma_start3A_19 : memref<120x128xf32, #tpu.memory_space<vmem_shared>>) target_semaphore(%run_scoped3A : memref<!tpu.dma_semaphore, #tpu.memory_space<semaphore_mem>>)
      %dma_wait3A = arith.constant 0 : i32
      %dma_wait3A_23 = tpu.memref_slice %arg10[%add3A_12, %dma_wait3A] : memref<10112x128xf32, #tpu.memory_space<vmem_shared>> -> memref<120x128xf32, #tpu.memory_space<vmem_shared>>
      %dma_wait3A_24 = arith.constant 0 : i32
      %dma_wait3A_25 = arith.constant 0 : i32
      %dma_wait3A_26 = tpu.memref_slice %arg5[%dma_wait3A_24, %dma_wait3A_25] : memref<128x128xf32, #tpu.memory_space<hbm>> -> memref<120x128xf32, #tpu.memory_space<hbm>>
      tpu.wait_dma2 semaphore(%run_scoped3A : memref<!tpu.dma_semaphore, #tpu.memory_space<semaphore_mem>>) src(%dma_wait3A_26 : memref<120x128xf32, #tpu.memory_space<hbm>>) dst(%dma_wait3A_23 : memref<120x128xf32, #tpu.memory_space<vmem_shared>>)
      tpu.yield
    }) : () -> ()
    "tpu.region"() ({
      %run_scoped3A = tpu.sem_alloc : memref<!tpu.dma_semaphore, #tpu.memory_space<semaphore_mem>>
      %dma_start3A = arith.constant 0 : i32
      %dma_start3A_19 = arith.constant 0 : i32
      %dma_start3A_20 = tpu.memref_slice %arg3[%add3A, %dma_start3A, %dma_start3A_19] : memref<32x80x128xi32, #tpu.memory_space<hbm>> -> memref<1x80x128xi32, #tpu.memory_space<hbm>>
      %dma_start3A_21 = tpu.memref_squeeze %dma_start3A_20 : memref<1x80x128xi32, #tpu.memory_space<hbm>> -> memref<80x128xi32, #tpu.memory_space<hbm>>
      %dma_start3A_22 = arith.constant 0 : i32
      %dma_start3A_23 = arith.constant 0 : i32
      %dma_start3A_24 = tpu.memref_slice %arg3[%add3A, %dma_start3A_22, %dma_start3A_23] : memref<32x80x128xi32, #tpu.memory_space<hbm>> -> memref<1x80x128xi32, #tpu.memory_space<hbm>>
      %dma_start3A_25 = tpu.memref_squeeze %dma_start3A_24 : memref<1x80x128xi32, #tpu.memory_space<hbm>> -> memref<80x128xi32, #tpu.memory_space<hbm>>
      tpu.enqueue_dma source(%dma_start3A_25 : memref<80x128xi32, #tpu.memory_space<hbm>>) target(%arg7 : memref<80x128xi32, #tpu.memory_space<vmem>>) target_semaphore(%run_scoped3A : memref<!tpu.dma_semaphore, #tpu.memory_space<semaphore_mem>>)
      %dma_wait3A = arith.constant 0 : i32
      %dma_wait3A_26 = arith.constant 0 : i32
      %dma_wait3A_27 = tpu.memref_slice %arg3[%add3A, %dma_wait3A, %dma_wait3A_26] : memref<32x80x128xi32, #tpu.memory_space<hbm>> -> memref<1x80x128xi32, #tpu.memory_space<hbm>>
      %dma_wait3A_28 = tpu.memref_squeeze %dma_wait3A_27 : memref<1x80x128xi32, #tpu.memory_space<hbm>> -> memref<80x128xi32, #tpu.memory_space<hbm>>
      %dma_wait3A_29 = arith.constant 0 : i32
      %dma_wait3A_30 = arith.constant 0 : i32
      %dma_wait3A_31 = tpu.memref_slice %arg3[%add3A, %dma_wait3A_29, %dma_wait3A_30] : memref<32x80x128xi32, #tpu.memory_space<hbm>> -> memref<1x80x128xi32, #tpu.memory_space<hbm>>
      %dma_wait3A_32 = tpu.memref_squeeze %dma_wait3A_31 : memref<1x80x128xi32, #tpu.memory_space<hbm>> -> memref<80x128xi32, #tpu.memory_space<hbm>>
      tpu.wait_dma2 semaphore(%run_scoped3A : memref<!tpu.dma_semaphore, #tpu.memory_space<semaphore_mem>>) src(%dma_wait3A_32 : memref<80x128xi32, #tpu.memory_space<hbm>>) dst(%arg7 : memref<80x128xi32, #tpu.memory_space<vmem>>)
      tpu.yield
    }) : () -> ()
    "tpu.region"() ({
      %run_scoped3A = tpu.sem_alloc : memref<!tpu.dma_semaphore, #tpu.memory_space<semaphore_mem>>
      %dma_start3A = arith.constant 0 : i32
      %dma_start3A_19 = arith.constant 0 : i32
      %dma_start3A_20 = tpu.memref_slice %arg4[%add3A, %dma_start3A, %dma_start3A_19] : memref<32x80x128xi32, #tpu.memory_space<hbm>> -> memref<1x80x128xi32, #tpu.memory_space<hbm>>
      %dma_start3A_21 = tpu.memref_squeeze %dma_start3A_20 : memref<1x80x128xi32, #tpu.memory_space<hbm>> -> memref<80x128xi32, #tpu.memory_space<hbm>>
      %dma_start3A_22 = arith.constant 0 : i32
      %dma_start3A_23 = arith.constant 0 : i32
      %dma_start3A_24 = tpu.memref_slice %arg4[%add3A, %dma_start3A_22, %dma_start3A_23] : memref<32x80x128xi32, #tpu.memory_space<hbm>> -> memref<1x80x128xi32, #tpu.memory_space<hbm>>
      %dma_start3A_25 = tpu.memref_squeeze %dma_start3A_24 : memref<1x80x128xi32, #tpu.memory_space<hbm>> -> memref<80x128xi32, #tpu.memory_space<hbm>>
      tpu.enqueue_dma source(%dma_start3A_25 : memref<80x128xi32, #tpu.memory_space<hbm>>) target(%arg8 : memref<80x128xi32, #tpu.memory_space<vmem>>) target_semaphore(%run_scoped3A : memref<!tpu.dma_semaphore, #tpu.memory_space<semaphore_mem>>)
      %dma_wait3A = arith.constant 0 : i32
      %dma_wait3A_26 = arith.constant 0 : i32
      %dma_wait3A_27 = tpu.memref_slice %arg4[%add3A, %dma_wait3A, %dma_wait3A_26] : memref<32x80x128xi32, #tpu.memory_space<hbm>> -> memref<1x80x128xi32, #tpu.memory_space<hbm>>
      %dma_wait3A_28 = tpu.memref_squeeze %dma_wait3A_27 : memref<1x80x128xi32, #tpu.memory_space<hbm>> -> memref<80x128xi32, #tpu.memory_space<hbm>>
      %dma_wait3A_29 = arith.constant 0 : i32
      %dma_wait3A_30 = arith.constant 0 : i32
      %dma_wait3A_31 = tpu.memref_slice %arg4[%add3A, %dma_wait3A_29, %dma_wait3A_30] : memref<32x80x128xi32, #tpu.memory_space<hbm>> -> memref<1x80x128xi32, #tpu.memory_space<hbm>>
      %dma_wait3A_32 = tpu.memref_squeeze %dma_wait3A_31 : memref<1x80x128xi32, #tpu.memory_space<hbm>> -> memref<80x128xi32, #tpu.memory_space<hbm>>
      tpu.wait_dma2 semaphore(%run_scoped3A : memref<!tpu.dma_semaphore, #tpu.memory_space<semaphore_mem>>) src(%dma_wait3A_32 : memref<80x128xi32, #tpu.memory_space<hbm>>) dst(%arg8 : memref<80x128xi32, #tpu.memory_space<vmem>>)
      tpu.yield
    }) : () -> ()
    %barrier3A = arith.constant 0 : index
    tpu.barrier barrier_id(%barrier3A)
    %scan3A = arith.constant 0 : i32
    %scan3A_13 = arith.constant 0 : i32
    %scan3A_14 = arith.constant 80 : i32
    %scan3A_15 = arith.addi %scan3A_13, %scan3A_14 : i32
    %scan3A_16 = arith.constant 1 : i32
    scf.for %scan3A_19 = %scan3A_13 to %scan3A_15 step %scan3A_16  : i32 {
      %dma_start3A = arith.constant 0 : i32
      %dma_start3A_20 = tpu.memref_slice %arg7[%scan3A_19, %dma_start3A] : memref<80x128xi32, #tpu.memory_space<vmem>> -> memref<1x128xi32, #tpu.memory_space<vmem>>
      %dma_start3A_21 = tpu.memref_squeeze %dma_start3A_20 : memref<1x128xi32, #tpu.memory_space<vmem>> -> memref<128xi32, #tpu.memory_space<vmem>>
      %dma_start3A_22 = arith.constant 0 : i32
      %dma_start3A_23 = arith.constant 0 : i32
      %dma_start3A_24 = tpu.memref_slice %arg2[%dma_start3A_22, %dma_start3A_23] : memref<10112x128xf32, #tpu.memory_space<hbm>> -> memref<10112x128xf32, #tpu.memory_space<hbm>>
      tpu.enqueue_indirect_dma source(%dma_start3A_24 : memref<10112x128xf32, #tpu.memory_space<hbm>>) target(%arg9 : memref<128x128xf32, #tpu.memory_space<vmem>>) offsets(%dma_start3A_21 : memref<128xi32, #tpu.memory_space<vmem>>) semaphore(%arg11 : memref<!tpu.dma_semaphore, #tpu.memory_space<semaphore_mem>>)
      %dma_wait3A = arith.constant 0 : i32
      %dma_wait3A_25 = tpu.memref_slice %arg7[%scan3A_19, %dma_wait3A] : memref<80x128xi32, #tpu.memory_space<vmem>> -> memref<1x128xi32, #tpu.memory_space<vmem>>
      %dma_wait3A_26 = tpu.memref_squeeze %dma_wait3A_25 : memref<1x128xi32, #tpu.memory_space<vmem>> -> memref<128xi32, #tpu.memory_space<vmem>>
      %dma_wait3A_27 = arith.constant 0 : i32
      %dma_wait3A_28 = arith.constant 0 : i32
      %dma_wait3A_29 = tpu.memref_slice %arg2[%dma_wait3A_27, %dma_wait3A_28] : memref<10112x128xf32, #tpu.memory_space<hbm>> -> memref<10112x128xf32, #tpu.memory_space<hbm>>
      tpu.wait_indirect_dma semaphore(%arg11 : memref<!tpu.dma_semaphore, #tpu.memory_space<semaphore_mem>>) src(%dma_wait3A_29 : memref<10112x128xf32, #tpu.memory_space<hbm>>) dst(%arg9 : memref<128x128xf32, #tpu.memory_space<vmem>>)
      "tpu.region"() ({
        %run_scoped3A = tpu.sem_alloc : memref<!tpu.dma_semaphore, #tpu.memory_space<semaphore_mem>>
        %dma_start3A_30 = arith.constant 0 : i32
        %dma_start3A_31 = tpu.memref_slice %arg8[%scan3A_19, %dma_start3A_30] : memref<80x128xi32, #tpu.memory_space<vmem>> -> memref<1x128xi32, #tpu.memory_space<vmem>>
        %dma_start3A_32 = tpu.memref_squeeze %dma_start3A_31 : memref<1x128xi32, #tpu.memory_space<vmem>> -> memref<128xi32, #tpu.memory_space<vmem>>
        %dma_start3A_33 = arith.constant 0 : i32
        %dma_start3A_34 = arith.constant 0 : i32
        %dma_start3A_35 = tpu.memref_slice %arg10[%dma_start3A_33, %dma_start3A_34] : memref<10112x128xf32, #tpu.memory_space<vmem_shared>> -> memref<10112x128xf32, #tpu.memory_space<vmem_shared>>
        tpu.enqueue_indirect_dma source(%arg9 : memref<128x128xf32, #tpu.memory_space<vmem>>) target(%dma_start3A_35 : memref<10112x128xf32, #tpu.memory_space<vmem_shared>>) offsets(%dma_start3A_32 : memref<128xi32, #tpu.memory_space<vmem>>) semaphore(%run_scoped3A : memref<!tpu.dma_semaphore, #tpu.memory_space<semaphore_mem>>) {add = true}
        %dma_wait3A_36 = arith.constant 0 : i32
        %dma_wait3A_37 = tpu.memref_slice %arg8[%scan3A_19, %dma_wait3A_36] : memref<80x128xi32, #tpu.memory_space<vmem>> -> memref<1x128xi32, #tpu.memory_space<vmem>>
        %dma_wait3A_38 = tpu.memref_squeeze %dma_wait3A_37 : memref<1x128xi32, #tpu.memory_space<vmem>> -> memref<128xi32, #tpu.memory_space<vmem>>
        %dma_wait3A_39 = arith.constant 0 : i32
        %dma_wait3A_40 = arith.constant 0 : i32
        %dma_wait3A_41 = tpu.memref_slice %arg10[%dma_wait3A_39, %dma_wait3A_40] : memref<10112x128xf32, #tpu.memory_space<vmem_shared>> -> memref<10112x128xf32, #tpu.memory_space<vmem_shared>>
        tpu.wait_indirect_dma semaphore(%run_scoped3A : memref<!tpu.dma_semaphore, #tpu.memory_space<semaphore_mem>>) src(%arg9 : memref<128x128xf32, #tpu.memory_space<vmem>>) dst(%dma_wait3A_41 : memref<10112x128xf32, #tpu.memory_space<vmem_shared>>)
        tpu.yield
      }) : () -> ()
    }
    %scan3A_17 = arith.constant 80 : i32
    %barrier3A_18 = arith.constant 0 : index
    tpu.barrier barrier_id(%barrier3A_18)
    "tpu.region"() ({
      %run_scoped3A = tpu.sem_alloc : memref<!tpu.dma_semaphore, #tpu.memory_space<semaphore_mem>>
      %dma_start3A = arith.constant 0 : i32
      %dma_start3A_19 = arith.constant 0 : i32
      %dma_start3A_20 = tpu.memref_slice %arg6[%arg0, %dma_start3A, %dma_start3A_19] : memref<2x10112x128xf32, #tpu.memory_space<hbm>> -> memref<1x10112x128xf32, #tpu.memory_space<hbm>>
      %dma_start3A_21 = tpu.memref_squeeze %dma_start3A_20 : memref<1x10112x128xf32, #tpu.memory_space<hbm>> -> memref<10112x128xf32, #tpu.memory_space<hbm>>
      %dma_start3A_22 = arith.constant 0 : i32
      %dma_start3A_23 = tpu.memref_slice %dma_start3A_21[%mul3A_2, %dma_start3A_22] : memref<10112x128xf32, #tpu.memory_space<hbm>> -> memref<632x128xf32, #tpu.memory_space<hbm>>
      %dma_start3A_24 = arith.constant 0 : i32
      %dma_start3A_25 = tpu.memref_slice %arg10[%mul3A_2, %dma_start3A_24] : memref<10112x128xf32, #tpu.memory_space<vmem_shared>> -> memref<632x128xf32, #tpu.memory_space<vmem_shared>>
      tpu.enqueue_dma source(%dma_start3A_25 : memref<632x128xf32, #tpu.memory_space<vmem_shared>>) target(%dma_start3A_23 : memref<632x128xf32, #tpu.memory_space<hbm>>) target_semaphore(%run_scoped3A : memref<!tpu.dma_semaphore, #tpu.memory_space<semaphore_mem>>)
      %dma_wait3A = arith.constant 0 : i32
      %dma_wait3A_26 = arith.constant 0 : i32
      %dma_wait3A_27 = tpu.memref_slice %arg6[%arg0, %dma_wait3A, %dma_wait3A_26] : memref<2x10112x128xf32, #tpu.memory_space<hbm>> -> memref<1x10112x128xf32, #tpu.memory_space<hbm>>
      %dma_wait3A_28 = tpu.memref_squeeze %dma_wait3A_27 : memref<1x10112x128xf32, #tpu.memory_space<hbm>> -> memref<10112x128xf32, #tpu.memory_space<hbm>>
      %dma_wait3A_29 = arith.constant 0 : i32
      %dma_wait3A_30 = tpu.memref_slice %dma_wait3A_28[%mul3A_2, %dma_wait3A_29] : memref<10112x128xf32, #tpu.memory_space<hbm>> -> memref<632x128xf32, #tpu.memory_space<hbm>>
      %dma_wait3A_31 = arith.constant 0 : i32
      %dma_wait3A_32 = tpu.memref_slice %arg10[%mul3A_2, %dma_wait3A_31] : memref<10112x128xf32, #tpu.memory_space<vmem_shared>> -> memref<632x128xf32, #tpu.memory_space<vmem_shared>>
      tpu.wait_dma2 semaphore(%run_scoped3A : memref<!tpu.dma_semaphore, #tpu.memory_space<semaphore_mem>>) src(%dma_wait3A_32 : memref<632x128xf32, #tpu.memory_space<vmem_shared>>) dst(%dma_wait3A_30 : memref<632x128xf32, #tpu.memory_space<hbm>>)
      tpu.yield
    }) : () -> ()
    return
  }
}

module attributes {stable_mosaic.version = 14 : i64} {
  func.func @_mid_body(%arg0: memref<10000x128xf32, #tpu.memory_space<vmem>>, %arg1: memref<128x128xf32, #tpu.memory_space<vmem>>, %arg2: memref<32x10112xf32, #tpu.memory_space<vmem>>, %arg3: memref<10112x128xf32, #tpu.memory_space<vmem>>, %arg4: memref<10112x1xf32, #tpu.memory_space<vmem>>) attributes {dimension_semantics = [], scalar_prefetch = 0 : i64, scratch_operands = 0 : i64, tpu.core_type = #tpu.core_type<tc>} {
    %broadcast_in_dim3A = arith.constant 1.000000e+00 : f32
    %broadcast_in_dim3A_0 = vector.broadcast %broadcast_in_dim3A : f32 to vector<32x1xf32>
    %get3A = arith.constant 0 : index
    %get3A_1 = arith.constant 0 : index
    %get3A_2 = vector.load %arg2[%get3A, %get3A_1] : memref<32x10112xf32, #tpu.memory_space<vmem>>, vector<32x10112xf32>
    %dot_general3A = arith.constant dense<0.000000e+00> : vector<10112x1xf32>
    %dot_general3A_3 = tpu.matmul %get3A_2, %broadcast_in_dim3A_0, %dot_general3A {dimension_numbers = #tpu.dot_dimension_numbers<[0], [0], [1], [1], [0, 1, 1, 1], [], []>, transpose_lhs_hint = false} : vector<32x10112xf32>, vector<32x1xf32>, vector<10112x1xf32> -> vector<10112x1xf32>
    %add3A = arith.constant 1.000000e+00 : f32
    %add3A_4 = vector.broadcast %add3A : f32 to vector<10112x1xf32>
    %add3A_5 = arith.addf %dot_general3A_3, %add3A_4 : vector<10112x1xf32>
    %rsqrt3A = math.rsqrt %add3A_5 : vector<10112x1xf32>
    %swap3A = arith.constant 0 : index
    %swap3A_6 = arith.constant 0 : index
    %swap3A_7 = vector.load %arg4[%swap3A, %swap3A_6] : memref<10112x1xf32, #tpu.memory_space<vmem>>, vector<10112x1xf32>
    tpu.vector_store %arg4[%swap3A, %swap3A_6], %rsqrt3A {strides = array<i32>} : memref<10112x1xf32, #tpu.memory_space<vmem>>, vector<10112x1xf32>,
    %get3A_8 = arith.constant 0 : index
    %get3A_9 = arith.constant 0 : index
    %get3A_10 = vector.load %arg0[%get3A_8, %get3A_9] : memref<10000x128xf32, #tpu.memory_space<vmem>>, vector<10000x128xf32>
    %get3A_11 = arith.constant 0 : index
    %get3A_12 = arith.constant 0 : index
    %get3A_13 = vector.load %arg1[%get3A_11, %get3A_12] : memref<128x128xf32, #tpu.memory_space<vmem>>, vector<128x128xf32>
    %dot_general3A_14 = arith.constant dense<0.000000e+00> : vector<10000x128xf32>
    %dot_general3A_15 = tpu.matmul %get3A_10, %get3A_13, %dot_general3A_14 {dimension_numbers = #tpu.dot_dimension_numbers<[1], [0], [0], [1], [0, 0, 1, 1], [], []>, transpose_lhs_hint = false} : vector<10000x128xf32>, vector<128x128xf32>, vector<10000x128xf32> -> vector<10000x128xf32>
    %slice3A = vector.extract_strided_slice %rsqrt3A {offsets = [0, 0], sizes = [10000, 1], strides = [1, 1]} : vector<10112x1xf32> to vector<10000x1xf32>
    %mul3A = vector.broadcast %slice3A : vector<10000x1xf32> to vector<10000x128xf32>
    %mul3A_16 = arith.mulf %dot_general3A_15, %mul3A : vector<10000x128xf32>
    %swap3A_17 = arith.constant 0 : index
    %swap3A_18 = arith.constant 0 : index
    %swap3A_19 = vector.load %arg3[%swap3A_17, %swap3A_18] : memref<10112x128xf32, #tpu.memory_space<vmem>>, vector<10000x128xf32>
    tpu.vector_store %arg3[%swap3A_17, %swap3A_18], %mul3A_16 {strides = array<i32>} : memref<10112x128xf32, #tpu.memory_space<vmem>>, vector<10000x128xf32>,
    %broadcast_in_dim3A_20 = arith.constant 0.000000e+00 : f32
    %broadcast_in_dim3A_21 = vector.broadcast %broadcast_in_dim3A_20 : f32 to vector<112x128xf32>
    %swap3A_22 = arith.constant 10000 : index
    %swap3A_23 = arith.constant 0 : index
    %swap3A_24 = vector.load %arg3[%swap3A_22, %swap3A_23] : memref<10112x128xf32, #tpu.memory_space<vmem>>, vector<112x128xf32>
    tpu.vector_store %arg3[%swap3A_22, %swap3A_23], %broadcast_in_dim3A_21 {strides = array<i32>} : memref<10112x128xf32, #tpu.memory_space<vmem>>, vector<112x128xf32>,
    return
  }
}

module attributes {stable_mosaic.version = 14 : i64} {
  func.func @_finish_body(%arg0: memref<2x10112x128xf32, #tpu.memory_space<vmem>>, %arg1: memref<10112x128xf32, #tpu.memory_space<vmem>>, %arg2: memref<10112x1xf32, #tpu.memory_space<vmem>>, %arg3: memref<10000x1xi32, #tpu.memory_space<vmem>>, %arg4: memref<1x128xf32, #tpu.memory_space<vmem>>, %arg5: memref<128x16xf32, #tpu.memory_space<vmem>>, %arg6: memref<1x16xf32, #tpu.memory_space<vmem>>, %arg7: memref<16x10xf32, #tpu.memory_space<vmem>>, %arg8: memref<1x10xf32, #tpu.memory_space<vmem>>, %arg9: memref<64x10xf32, #tpu.memory_space<vmem>>) attributes {dimension_semantics = [], scalar_prefetch = 0 : i64, scratch_operands = 0 : i64, tpu.core_type = #tpu.core_type<tc>} {
    %get3A = arith.constant 0 : index
    %get3A_0 = arith.constant 0 : index
    %get3A_1 = arith.constant 0 : index
    %get3A_2 = vector.load %arg0[%get3A, %get3A_0, %get3A_1] : memref<2x10112x128xf32, #tpu.memory_space<vmem>>, vector<1x10000x128xf32>
    %get3A_3 = vector.shape_cast %get3A_2 : vector<1x10000x128xf32> to vector<10000x128xf32>
    %get3A_4 = arith.constant 1 : index
    %get3A_5 = arith.constant 0 : index
    %get3A_6 = arith.constant 0 : index
    %get3A_7 = vector.load %arg0[%get3A_4, %get3A_5, %get3A_6] : memref<2x10112x128xf32, #tpu.memory_space<vmem>>, vector<1x10000x128xf32>
    %get3A_8 = vector.shape_cast %get3A_7 : vector<1x10000x128xf32> to vector<10000x128xf32>
    %add3A = arith.addf %get3A_3, %get3A_8 : vector<10000x128xf32>
    %get3A_9 = arith.constant 0 : index
    %get3A_10 = arith.constant 0 : index
    %get3A_11 = vector.load %arg1[%get3A_9, %get3A_10] : memref<10112x128xf32, #tpu.memory_space<vmem>>, vector<10000x128xf32>
    %add3A_12 = arith.addf %add3A, %get3A_11 : vector<10000x128xf32>
    %get3A_13 = arith.constant 0 : index
    %get3A_14 = arith.constant 0 : index
    %get3A_15 = vector.load %arg2[%get3A_13, %get3A_14] : memref<10112x1xf32, #tpu.memory_space<vmem>>, vector<10000x1xf32>
    %mul3A = vector.broadcast %get3A_15 : vector<10000x1xf32> to vector<10000x128xf32>
    %mul3A_16 = arith.mulf %add3A_12, %mul3A : vector<10000x128xf32>
    %get3A_17 = arith.constant 0 : index
    %get3A_18 = arith.constant 0 : index
    %get3A_19 = vector.load %arg4[%get3A_17, %get3A_18] : memref<1x128xf32, #tpu.memory_space<vmem>>, vector<1x128xf32>
    %add3A_20 = vector.broadcast %get3A_19 : vector<1x128xf32> to vector<10000x128xf32>
    %add3A_21 = arith.addf %mul3A_16, %add3A_20 : vector<10000x128xf32>
    %max3A = arith.constant 0.000000e+00 : f32
    %max3A_22 = vector.broadcast %max3A : f32 to vector<10000x128xf32>
    %max3A_23 = arith.maximumf %add3A_21, %max3A_22 : vector<10000x128xf32>
    %iota3A = tpu.iota {dimensions = array<i32: 1>} : vector<10000x64xi32>
    %get3A_24 = arith.constant 0 : index
    %get3A_25 = arith.constant 0 : index
    %get3A_26 = vector.load %arg3[%get3A_24, %get3A_25] : memref<10000x1xi32, #tpu.memory_space<vmem>>, vector<10000x1xi32>
    %eq3A = vector.broadcast %get3A_26 : vector<10000x1xi32> to vector<10000x64xi32>
    %eq3A_27 = arith.cmpi eq, %eq3A, %iota3A : vector<10000x64xi32>
    %jit3A = arith.constant 1.000000e+00 : f32
    %jit3A_28 = arith.constant 0.000000e+00 : f32
    %broadcast_in_dim3A = vector.broadcast %jit3A : f32 to vector<10000x64xf32>
    %broadcast_in_dim3A_29 = vector.broadcast %jit3A_28 : f32 to vector<10000x64xf32>
    %select_n3A = arith.select %eq3A_27, %broadcast_in_dim3A, %broadcast_in_dim3A_29 : vector<10000x64xi1>, vector<10000x64xf32>
    %dot_general3A = arith.constant dense<0.000000e+00> : vector<64x128xf32>
    %dot_general3A_30 = tpu.matmul %select_n3A, %max3A_23, %dot_general3A {dimension_numbers = #tpu.dot_dimension_numbers<[0], [0], [1], [1], [0, 1, 1, 1], [], []>, transpose_lhs_hint = false} : vector<10000x64xf32>, vector<10000x128xf32>, vector<64x128xf32> -> vector<64x128xf32>
    %reduce_sum3A = arith.constant dense<0.000000e+00> : vector<64xf32>
    %reduce_sum3A_31 = vector.multi_reduction <add>, %select_n3A, %reduce_sum3A [0] : vector<10000x64xf32> to vector<64xf32>
    %broadcast_in_dim3A_32 = vector.shape_cast %reduce_sum3A_31 : vector<64xf32> to vector<1x64xf32>
    %max3A_33 = arith.constant 1.000000e+00 : f32
    %max3A_34 = vector.broadcast %max3A_33 : f32 to vector<1x64xf32>
    %max3A_35 = arith.maximumf %broadcast_in_dim3A_32, %max3A_34 : vector<1x64xf32>
    %transpose3A = tpu.transpose %max3A_35, [1, 0] : vector<1x64xf32> -> vector<64x1xf32>
    %div3A = vector.broadcast %transpose3A : vector<64x1xf32> to vector<64x128xf32>
    %div3A_36 = arith.divf %dot_general3A_30, %div3A : vector<64x128xf32>
    %get3A_37 = arith.constant 0 : index
    %get3A_38 = arith.constant 0 : index
    %get3A_39 = vector.load %arg5[%get3A_37, %get3A_38] : memref<128x16xf32, #tpu.memory_space<vmem>>, vector<128x16xf32>
    %dot_general3A_40 = arith.constant dense<0.000000e+00> : vector<64x16xf32>
    %dot_general3A_41 = tpu.matmul %div3A_36, %get3A_39, %dot_general3A_40 {dimension_numbers = #tpu.dot_dimension_numbers<[1], [0], [0], [1], [0, 0, 1, 1], [], []>, transpose_lhs_hint = false} : vector<64x128xf32>, vector<128x16xf32>, vector<64x16xf32> -> vector<64x16xf32>
    %get3A_42 = arith.constant 0 : index
    %get3A_43 = arith.constant 0 : index
    %get3A_44 = vector.load %arg6[%get3A_42, %get3A_43] : memref<1x16xf32, #tpu.memory_space<vmem>>, vector<1x16xf32>
    %add3A_45 = vector.broadcast %get3A_44 : vector<1x16xf32> to vector<64x16xf32>
    %add3A_46 = arith.addf %dot_general3A_41, %add3A_45 : vector<64x16xf32>
    %max3A_47 = arith.constant 0.000000e+00 : f32
    %max3A_48 = vector.broadcast %max3A_47 : f32 to vector<64x16xf32>
    %max3A_49 = arith.maximumf %add3A_46, %max3A_48 : vector<64x16xf32>
    %get3A_50 = arith.constant 0 : index
    %get3A_51 = arith.constant 0 : index
    %get3A_52 = vector.load %arg7[%get3A_50, %get3A_51] : memref<16x10xf32, #tpu.memory_space<vmem>>, vector<16x10xf32>
    %dot_general3A_53 = arith.constant dense<0.000000e+00> : vector<64x10xf32>
    %dot_general3A_54 = tpu.matmul %max3A_49, %get3A_52, %dot_general3A_53 {dimension_numbers = #tpu.dot_dimension_numbers<[1], [0], [0], [1], [0, 0, 1, 1], [], []>, transpose_lhs_hint = false} : vector<64x16xf32>, vector<16x10xf32>, vector<64x10xf32> -> vector<64x10xf32>
    %get3A_55 = arith.constant 0 : index
    %get3A_56 = arith.constant 0 : index
    %get3A_57 = vector.load %arg8[%get3A_55, %get3A_56] : memref<1x10xf32, #tpu.memory_space<vmem>>, vector<1x10xf32>
    %add3A_58 = vector.broadcast %get3A_57 : vector<1x10xf32> to vector<64x10xf32>
    %add3A_59 = arith.addf %dot_general3A_54, %add3A_58 : vector<64x10xf32>
    %swap3A = arith.constant 0 : index
    %swap3A_60 = arith.constant 0 : index
    %swap3A_61 = vector.load %arg9[%swap3A, %swap3A_60] : memref<64x10xf32, #tpu.memory_space<vmem>>, vector<64x10xf32>
    tpu.vector_store %arg9[%swap3A, %swap3A_60], %add3A_59 {strides = array<i32>} : memref<64x10xf32, #tpu.memory_space<vmem>>, vector<64x10xf32>,
    return
  }
}

</mosaic_0001>

<sc_bundles>
// kernel: kernel.6.cloned.1.call-start
scs
__scs_entry_jumppad:
0x0: {  	(pc) =	sbr.rel $0x88, $3  }
0x1: {  	(tag) =	ssettag $0x0;
	lr =	simm.s32 $0x1  }
0x2: {  	[smem:$0x3F98] =	sst lr;
	_ =	strace $0xD0000000  }
0x3: {  	_ = 	snop  }
0x4: {  	_ = 	snop  }
0x5: {  	_ = 	snop  }
0x6: {  	_ = 	snop  }
0x7: {  	_ = 	snop  }
__scs_overlays_trampoline_lowered:
0x8: {  	[smem:$0x3FA7] =	sst s0  }
0x9: {  	[smem:$0x3FA8] =	sst s1  }
0xa: {  	[smem:$0x3FA9] =	sst s2  }
0xb: {  	[smem:$0x3FAA] =	sst s3  }
0xc: {  	[smem:$0x3FAB] =	sst s4  }
0xd: {  	[smem:$0x3FAC] =	sst s5  }
0xe: {  	[smem:$0x3FAD] =	sst s6  }
0xf: {  	[smem:$0x3FAE] =	sst s7  }
0x10: {  	[smem:$0x3FAF] =	sst s8  }
0x11: {  	[smem:$0x3FB0] =	sst s9;
	s0 =	simm.s32 @!p0 $0x0  }
0x12: {  	s1 =	sld [smem:$0x3F96];
	s0 =	simm.s32 @p0 $0x1  }
0x13: {  	[smem:$0x3FB1] =	sst s0;
	s0 =	simm.s32 @!p1 $0x0  }
0x14: {  	s2 =	sld [smem:$0x3F95];
	s0 =	simm.s32 @p1 $0x1  }
0x15: {  	[smem:$0x3FB2] =	sst s0;
	s0 =	simm.s32 @!p2 $0x0  }
0x16: {  	s3 =	sld [smem:$0x3FDB];
	s0 =	simm.s32 @p2 $0x1  }
0x17: {  	s4 =	simm.s32 $0x1BF5;
	[smem:$0x3FB4] =	sst s0  }
0x18: {  	s0 =	sld [smem:$0x3F97];
	_ =	swait.ge [sflag:s4], $0x0  }
0x19: {  	s7 =	sld [smem:$0x3F98]  }
0x1a: {  	s8 =	sadd.s32 $0xFFFFE003, lr  }
0x1b: {  	s9 =	sadd.s32 $0xFFFFFEF7, lr;
	s5 =	simm.s32 $0xFFFFFFFF;
	p2 =	slt.u32 s8, $0xFFFFF086  }
0x1c: {  	p1 =	slt.u32 s9, $0xF7A;
	s5 =	simm.s32 @!p2 $0x0  }
0x1d: {  	s5 =	simm.s32 @p1 $0x1;
	p0 =	seq.s32 s7, s2  }
0x1e: {  	s7 =	smul.u32 @!p0 $0xF7A, s2;
	p2 =	seq.s32 @!p0 s5, $0x0  }
0x1f: {  	s9 =	smul.u32 $0xF7A, s1;
	s8 =	simm.s32 @!p0 $0x1BF5;
	p2 =	por !p2, p0  }
0x20: {  	[sflag:s8] =	ssyncset.s32 @!p0 $0xFFFFF086;
	s6 =	sadd.s32 @!p0 s3, s7;
	s7 =	simm.s32 @!p0 $0x108  }
0x21: {  	s3 =	sadd.s32 s3, s9;
	s6 =	sadd.s32 @!p0 $0x88, s6;
	s7 =	simm.s32 @p2 $0x1082  }
0x22: {  	[simem:s7], [sflag:s8] =	dma.local @!p0 [hbm:s6], $0xF7A  }
0x23: {  	s9 =	sor.u32 $0xD0000000, s2;
	s6 =	simm.s32 $0x108;
	_ =	swait.ge @!p0 [sflag:s8], $0x0  }
0x24: {  	s3 =	sadd.s32 $0x88, s3;
	s6 =	simm.s32 @!p1 $0x1082;
	[sflag:s4] =	ssyncset.s32 $0xFFFFF086  }
0x25: {  	[simem:s6], [sflag:s4] =	dma.local [hbm:s3], $0xF7A  }
0x26: {  	[smem:$0x3F98] =	sst s1;
	(tag) =	ssettag s2;
	_ =	strace s9  }
0x27: {  	s1 =	sld [smem:$0x3FA8]  }
0x28: {  	s2 =	sld [smem:$0x3FA9]  }
0x29: {  	s4 =	sld [smem:$0x3FAB]  }
0x2a: {  	p0 =	seq.s32 s5, $0x0;
	s5 =	sld [smem:$0x3FAC]  }
0x2b: {  	s6 =	sld [smem:$0x3FAD]  }
0x2c: {  	s7 =	sld [smem:$0x3FAE]  }
0x2d: {  	s3 =	simm.s32 $0x108;
	s8 =	sld [smem:$0x3FAF]  }
0x2e: {  	s3 =	simm.s32 @!p0 $0x1082;
	s9 =	sld [smem:$0x3FB0]  }
0x2f: {  	lr =	sadd.s32 s0, s3;
	s0 =	sld [smem:$0x3FA7]  }
0x30: {  	s3 =	sld [smem:$0x3FAA]  }
0x31: {  	[smem:$0x3FB3] =	sst s10  }
0x32: {  	s10 =	sld [smem:$0x3FB1];
	_ =	sdelay $0x3  }
0x33: {  	p0 =	seq.s32 s10, $0x1;
	s10 =	sld [smem:$0x3FB3];
	_ =	sdelay $0x3  }
0x34: {  	[smem:$0x3FB3] =	sst s10  }
0x35: {  	s10 =	sld [smem:$0x3FB2];
	_ =	sdelay $0x3  }
0x36: {  	p1 =	seq.s32 s10, $0x1;
	s10 =	sld [smem:$0x3FB3];
	_ =	sdelay $0x3  }
0x37: {  	[smem:$0x3FB3] =	sst s10  }
0x38: {  	s10 =	sld [smem:$0x3FB4]  }
0x39: {  	_ = 	snop;
	(pc) =	sbr.ind lr, $3  }
0x3a: {  	_ = 	snop  }
0x3b: {  	_ = 	snop  }
0x3c: {  	p2 =	seq.s32 s10, $0x1;
	s10 =	sld [smem:$0x3FB3]  }
0x3d: {  	_ =	shalt  }
0x3e: {  	_ =	shalt  }
0x3f: {  	_ =	shalt  }
0x40: {  	_ =	shalt  }
0x41: {  	_ =	shalt  }
0x42: {  	_ =	shalt  }
0x43: {  	_ =	shalt  }
0x44: {  	_ =	shalt  }
0x45: {  	_ =	shalt  }
0x46: {  	_ =	shalt  }
0x47: {  	_ =	shalt  }
0x48: {  	_ =	shalt  }
0x49: {  	_ =	shalt  }
0x4a: {  	_ =	shalt  }
0x4b: {  	_ =	shalt  }
0x4c: {  	_ =	shalt  }
0x4d: {  	_ =	shalt  }
0x4e: {  	_ =	shalt  }
0x4f: {  	_ =	shalt  }
0x50: {  	_ =	shalt  }
0x51: {  	_ =	shalt  }
0x52: {  	_ =	shalt  }
0x53: {  	_ =	shalt  }
0x54: {  	_ =	shalt  }
0x55: {  	_ =	shalt  }
0x56: {  	_ =	shalt  }
0x57: {  	_ =	shalt  }
0x58: {  	_ =	shalt  }
0x59: {  	_ =	shalt  }
0x5a: {  	_ =	shalt  }
0x5b: {  	_ =	shalt  }
0x5c: {  	_ =	shalt  }
0x5d: {  	_ =	shalt  }
0x5e: {  	_ =	shalt  }
0x5f: {  	_ =	shalt  }
0x60: {  	_ =	shalt  }
0x61: {  	_ =	shalt  }
0x62: {  	_ =	shalt  }
0x63: {  	_ =	shalt  }
0x64: {  	_ =	shalt  }
0x65: {  	_ =	shalt  }
0x66: {  	_ =	shalt  }
0x67: {  	_ =	shalt  }
0x68: {  	_ =	shalt  }
0x69: {  	_ =	shalt  }
0x6a: {  	_ =	shalt  }
0x6b: {  	_ =	shalt  }
0x6c: {  	_ =	shalt  }
0x6d: {  	_ =	shalt  }
0x6e: {  	_ =	shalt  }
0x6f: {  	_ =	shalt  }
0x70: {  	_ =	shalt  }
0x71: {  	_ =	shalt  }
0x72: {  	_ =	shalt  }
0x73: {  	_ =	shalt  }
0x74: {  	_ =	shalt  }
0x75: {  	_ =	shalt  }
0x76: {  	_ =	shalt  }
0x77: {  	_ =	shalt  }
0x78: {  	_ =	shalt  }
0x79: {  	_ =	shalt  }
0x7a: {  	_ =	shalt  }
0x7b: {  	_ =	shalt  }
0x7c: {  	_ =	shalt  }
0x7d: {  	_ =	shalt  }
0x7e: {  	_ =	shalt  }
0x7f: {  	_ =	shalt  }
0x80: {  	_ =	shalt  }
0x81: {  	_ =	shalt  }
0x82: {  	_ =	shalt  }
0x83: {  	_ =	shalt  }
0x84: {  	_ =	shalt  }
0x85: {  	_ =	shalt  }
0x86: {  	_ =	shalt  }
0x87: {  	_ =	shalt  }
.Lfunc_end0:
.L_simem_size_0:
called_computation_lowered:
.L_overlay_start_0:
0x88: {  	s2 =	sld [smem:$0x3FD9]  }
0x89: {  	s3 =	sld [smem:$0x3FFE];
	_ =	sdelay $0x1  }
0x8a: {  	s1 =	srdreg.scid  }
0x8b: {  	s0 =	sand.u32 $0x1, s1  }
0x8c: {  	s16 =	sshll.u32 s0, $0xA;
	s2 =	sadd.s32 s3, s2  }
0x8d: {  	s2 =	sadd.s32 s2, s16  }
0x8e: {  	[smem:$0x3FBF] =	sst s2  }
0x8f: {  	_ = 	snop  }
0x90: {  	(tm) =	ssettm $0x1  }
0x91: {  	s17 =	sld [smem:$0x3FFB];
	_ =	sdelay $0x3  }
0x92: {  	_ =	strace s17  }
0x93: {  	s2 =	sld [smem:$0x3FFC];
	_ =	sdelay $0x3  }
0x94: {  	_ =	strace s2  }
0x95: {  	s2 =	sld [smem:$0x3FFD];
	_ =	sdelay $0x3  }
0x96: {  	_ =	strace s2  }
0x97: {  	_ =	strace $0x8FFFFFFF  }
0x98: {  	s18 =	sld [smem:$0x3FDB];
	_ =	sdelay $0x1  }
0x99: {  	s19 =	simm.s32 $_scs_section_size  }
0x9a: {  	s4 =	simm.s32 $_size__tile_overlayer_lowered;
	s5 =	simm.s32 $_tile_overlayer_lowered  }
0x9b: {  	s22 =	simm.s32 $0x1BFF;
	s21 =	sshll.u32 s5, $0x1;
	s2 =	sadd.s32 s19, s18  }
0x9c: {  	s6 =	simm.s32 $0x0;
	s20 =	sshll.u32 s4, $0x1;
	s4 =	sadd.s32 s21, s2  }
0x9d: {  	[timem:s6], [sflag:s22] =	dma.local [hbm:s4], s20  }
0x9e: {  	_ =	swait.ge [sflag:s22], s20  }
0x9f: {  	s3 =	ssub.s32 $0x0, s20;
	[sflag:s22] =	ssyncset.done $0x0  }
0xa0: {  	[sflag:s22] =	ssyncadd.s32 s3;
	_ =	sdelay $0x1  }
0xa1: {  	s23 =	simm.s32 $0x1B8B  }
0xa2: {  	_ =	swait.ge [sflag:s23], $0x1  }
0xa3: {  	[sflag:s23] =	ssyncset.done $0x0  }
0xa4: {  	s25 =	simm.s32 $0x1B8E;
	s24 =	sld [smem:$0x3FFE];
	[sflag:s23] =	ssyncadd.s32 $0xFFFFFFFF  }
0xa5: {  	s26 =	simm.s32 $execute0_lowered;
	[smem:$0x3FD2] =	sst s25  }
0xa6: {  	s4 =	sshll.u32 s26, $0x1;
	_ =	strace $0x80000046;
	[dreg:$0x1] =	wrdreg $0xFFFFFFFF  }
0xa7: {  	s28 =	simm.s32 $_size_execute0_lowered;
	s2 =	sadd.s32 s2, s4;
	[dreg:$0x0] =	wrdreg $0x0  }
0xa8: {  	s4 =	sshll.u32 s28, $0x1;
	[dreg:$0x2] =	wrdreg s2  }
0xa9: {  	[dreg:$0x3] =	wrdreg s4  }
0xaa: {  	[dreg:$0x4] =	wrdreg $0xC0  }
0xab: {  	_ =	task [dreg:s6], $0x5FFFF  }
0xac: {  	[dreg:$0x1] =	wrdreg $0xFFFFFFFF  }
0xad: {  	[dreg:$0x0] =	wrdreg $0x60  }
0xae: {  	[dreg:$0x2] =	wrdreg s24  }
0xaf: {  	[dreg:$0x3] =	wrdreg $0x9  }
0xb0: {  	_ =	task.clear_ibuf [dreg:s6], $0x4FFFF;
	_ =	strace $0x90000046  }
0xb1: {  	s29 =	simm.s32 $0x9;
	_ =	strace $0x80000048  }
0xb2: {  	_ =	swait.ge [sflag:s29], $0x1  }
0xb3: {  	[sflag:s29] =	ssyncadd.s32 $0xFFFFFFFF  }
0xb4: {  	_ =	strace $0x90000048  }
0xb5: {  	_ =	sfence  }
0xb6: {  	s30 =	sld [smem:$0x0];
	_ =	sdelay $0x2  }
0xb7: {  	s31 =	sshll.u32 s1, $0xD;
	s1 =	sshrl.u32 s1, $0x2  }
0xb8: {  	s3 =	sand.u32 $0x4000, s31;
	s1 =	sadd.s32 s1, s30  }
0xb9: {  	s0 =	sor.u32 s3, s0;
	s1 =	sshll.u32 s1, $0x11  }
0xba: {  	s0 =	sor.u32 s1, s0  }
0xbb: {  	s0 =	sadd.s32 $0x8F2B, s0  }
0xbc: {  	[sflag:s0] =	ssyncadd.remote.s32 $0x1  }
0xbd: {  	_ =	sfence.sel $0xFFFF  }
0xbe: {  	[dreg:$0x0] =	wrdreg $0xFFFFFFFF;
	(pc) =	sbr.abs _section_cstart, $3  }
0xbf: {  	[dreg:$0x1] =	wrdreg $0xFFFFFFFF  }
0xc0: {  	_ =	task.clear_ibuf [dreg:s6], $0x2FFFF;
	_ =	strace $0x9FFFFFFF  }
0xc1: {  	(tm) =	ssettm $0x7FFFFFFF  }
tec
execute0_lowered:
.L_overlay_start_1:
0x0: {  	(tag) =	ssettag $0x1  }
0x1: {  	s0 =	srdreg.scid  }
0x2: {  	s4 =	rddreg [dreg:$0x0];
	s2 =	simm.s32 $0x0;
	s3 =	sand.u32 $0x1, s0  }
0x3: {  	s8 =	simm.s32 $0x1;
	s0 =	stileid.u32;
	s1 =	sshll.u32 s3, $0x4  }
0x4: {  	s9 =	simm.s32 $0x80;
	s10 =	simm.s32 $0x400;
	s5 =	sor.u32 s0, s1  }
0x5: {  	s11 =	simm.s32 $0x0;
	[smem:$0x7FF] =	sst s2;
	s6 =	sshrl.u32 s5, $0x3  }
0x6: {  	s7 =	sshll.u32 s0, $0x7;
	s30 =	ssub.s32 $0x2, s3;
	s6 =	smul.u32 $0x13C00, s6  }
0x7: {  	s3 =	sadd.s32 $0x51400, s4;
	s7 =	sand.u32 $0x380, s7;
	s5 =	smul.u32 $0x2780, s5  }
0x8: {  	s1 =	rddreg [dreg:$0x1];
	_ =	strace $0x80000047;
	s6 =	sor.u32 s7, s6  }
0x9: {  	s31 =	sshrl.u32 s30, $0x1;
	s5 =	sadd.s32 s5, s4;
	s6 =	sshrl.u32 s6, $0x3  }
0xa: {  	s7 =	ssub.s32 s30, s31;
	s6 =	sadd.s32 s6, s4;
	s4 =	sadd.s32 $0x2400, s5  }
0xb: {  	v0 =	vimm.f32 $1.000000000e+00;
	s5 =	sadd.s32 $0x51A00, s6;
	s6 =	smax.u32 s7, $0x1;
	s7 =	simm.s32 $0x13C00  }
.LBB2_1:
0xc: {  	[tilespmem:s7], [sflag:$0x1] =	stream.linear.gather [hbm4b:s3+s2], $0x2780, $0x38;
	[tilespmem:$0x16380] =	vst v63  }
0xd: {  	_ =	swait.ge [sflag:s8], $0x2780  }
0xe: {  	[sflag:s8] =	ssyncset.done $0x0  }
0xf: {  	[sflag:s8] =	ssyncadd.s32 $0xFFFFD880  }
0x10: {  	[tilespmem:s2], [sflag:$0x1] =	stream.linear.gather [hbm4b:s4+s2], $0x13880, $0x38;
	[tilespmem:$0x16380] =	vst v63  }
0x11: {  	_ =	swait.ge [sflag:s8], $0x13880  }
0x12: {  	[sflag:s8] =	ssyncset.done $0x0  }
0x13: {  	s13 =	simm.s32 $0x0;
	s12 =	simm.s32 $0x200;
	[sflag:s8] =	ssyncadd.s32 $0xFFFEC780  }
.LBB2_2:
0x14: {  	p0 =	sne.s32 s12, $0x4E000;
	v1 =	vld [tilespmem:s13+$0x0];
	_ =	sdelay $0x3  }
.Ltmp0:
0x15: {  	(pc) =	sbr.rel @p0 .LBB2_2-.Ltmp0, $2  }
0x16: {  	_ =	sdelay $0x2  }
0x17: {  	s13 =	sshra.s32 s12, $0x2;
	s12 =	sadd.s32 $0x200, s12;
	[tilespmem:v1+s7+$0x0] =	vst.idx.add.f32.msk $0xffff, v0  }
0x18: {  	v1 =	vld [tilespmem:s13+$0x0];
	_ =	sdelay $0x5  }
0x19: {  	s11 =	sadd.s32 $0x1, s11  }
0x1a: {  	p0 =	sne.s32 s11, s6  }
.Ltmp1:
0x1b: {  	[tilespmem:v1+s7+$0x0] =	vst.idx.add.f32.msk $0xffff, v0;
	(pc) =	sbr.rel @p0 .LBB2_1-.Ltmp1, $4  }
0x1c: {  	[hbm4b:s5+s9] =	stream.strided.scatter [tilespmem:s7], [sflag:$0x1], $0x2780, s10, s9, $0x38;
	[tilespmem:$0x16380] =	vst v63  }
0x1d: {  	_ =	swait.ge [sflag:s8], $0x2780  }
0x1e: {  	[sflag:s8] =	ssyncset.done $0x0  }
0x1f: {  	[sflag:s8] =	ssyncadd.s32 $0xFFFFD880  }
0x20: {  	_ =	sfence.sel $0x180000  }
0x21: {  	[bflag:$0x0] =	sbarrier.arrive $0xFFFF  }
0x22: {  	p0 =	sne.s32 s0, $0x0;
	_ =	strace $0x90000047  }
0x23: {  	s0 =	sadd.s32 @!p0 $0x100000, s1;
	[bflag:$0x2] =	sbarrier.arrive $0xFFFF  }
0x24: {  	[sflag:s0] =	ssyncadd.tile.s32 @!p0 $0x1;
	_ =	shalt  }
.Lfunc_end2:
_tile_overlayer_lowered:
.L_overlay_start_2:
0x25: {  	(tag) =	ssettag $0x2  }
0x26: {  	s0 =	rddreg [dreg:$0x0];
	s2 =	stileid.u32  }
0x27: {  	s1 =	rddreg [dreg:$0x1];
	p0 =	sne.s32 s2, $0x0  }
0x28: {  	s3 =	rddreg [dreg:$0x2];
	[bflag:$0x3] =	sbarrier.arrive $0xFFFF;
	s2 =	simm.s32 @!p0 $0x1C01  }
0x29: {  	[timem:s3], [sflag:s2] =	dma.local @!p0 [hbm:s0], s1  }
0x2a: {  	s0 =	simm.s32 @!p0 $0x1  }
0x2b: {  	_ =	swait.ge @!p0 [sflag:s0], s1  }
0x2c: {  	s1 =	ssub.s32 @!p0 $0x0, s1;
	[sflag:s0] =	ssyncset.done @!p0 $0x0  }
0x2d: {  	[sflag:s0] =	ssyncadd.s32 @!p0 s1  }
0x2e: {  	[bflag:$0x3] =	sbarrier.arrive $0xFFFF  }
0x2f: {  	_ =	shalt  }

// kernel: kernel.9.cloned.1.call-start
scs
__scs_entry_jumppad:
0x0: {  	(pc) =	sbr.rel $0x88, $3  }
0x1: {  	(tag) =	ssettag $0x0;
	lr =	simm.s32 $0x1  }
0x2: {  	[smem:$0x3F98] =	sst lr;
	_ =	strace $0xD0000000  }
0x3: {  	_ = 	snop  }
0x4: {  	_ = 	snop  }
0x5: {  	_ = 	snop  }
0x6: {  	_ = 	snop  }
0x7: {  	_ = 	snop  }
__scs_overlays_trampoline_lowered:
0x8: {  	[smem:$0x3FA7] =	sst s0  }
0x9: {  	[smem:$0x3FA8] =	sst s1  }
0xa: {  	[smem:$0x3FA9] =	sst s2  }
0xb: {  	[smem:$0x3FAA] =	sst s3  }
0xc: {  	[smem:$0x3FAB] =	sst s4  }
0xd: {  	[smem:$0x3FAC] =	sst s5  }
0xe: {  	[smem:$0x3FAD] =	sst s6  }
0xf: {  	[smem:$0x3FAE] =	sst s7  }
0x10: {  	[smem:$0x3FAF] =	sst s8  }
0x11: {  	[smem:$0x3FB0] =	sst s9;
	s0 =	simm.s32 @!p0 $0x0  }
0x12: {  	s1 =	sld [smem:$0x3F96];
	s0 =	simm.s32 @p0 $0x1  }
0x13: {  	[smem:$0x3FB1] =	sst s0;
	s0 =	simm.s32 @!p1 $0x0  }
0x14: {  	s2 =	sld [smem:$0x3F95];
	s0 =	simm.s32 @p1 $0x1  }
0x15: {  	[smem:$0x3FB2] =	sst s0;
	s0 =	simm.s32 @!p2 $0x0  }
0x16: {  	s3 =	sld [smem:$0x3FDB];
	s0 =	simm.s32 @p2 $0x1  }
0x17: {  	s4 =	simm.s32 $0x1BF5;
	[smem:$0x3FB4] =	sst s0  }
0x18: {  	s0 =	sld [smem:$0x3F97];
	_ =	swait.ge [sflag:s4], $0x0  }
0x19: {  	s7 =	sld [smem:$0x3F98]  }
0x1a: {  	s8 =	sadd.s32 $0xFFFFE003, lr  }
0x1b: {  	s9 =	sadd.s32 $0xFFFFFEF7, lr;
	s5 =	simm.s32 $0xFFFFFFFF;
	p2 =	slt.u32 s8, $0xFFFFF086  }
0x1c: {  	p1 =	slt.u32 s9, $0xF7A;
	s5 =	simm.s32 @!p2 $0x0  }
0x1d: {  	s5 =	simm.s32 @p1 $0x1;
	p0 =	seq.s32 s7, s2  }
0x1e: {  	s7 =	smul.u32 @!p0 $0xF7A, s2;
	p2 =	seq.s32 @!p0 s5, $0x0  }
0x1f: {  	s9 =	smul.u32 $0xF7A, s1;
	s8 =	simm.s32 @!p0 $0x1BF5;
	p2 =	por !p2, p0  }
0x20: {  	[sflag:s8] =	ssyncset.s32 @!p0 $0xFFFFF086;
	s6 =	sadd.s32 @!p0 s3, s7;
	s7 =	simm.s32 @!p0 $0x108  }
0x21: {  	s3 =	sadd.s32 s3, s9;
	s6 =	sadd.s32 @!p0 $0x88, s6;
	s7 =	simm.s32 @p2 $0x1082  }
0x22: {  	[simem:s7], [sflag:s8] =	dma.local @!p0 [hbm:s6], $0xF7A  }
0x23: {  	s9 =	sor.u32 $0xD0000000, s2;
	s6 =	simm.s32 $0x108;
	_ =	swait.ge @!p0 [sflag:s8], $0x0  }
0x24: {  	s3 =	sadd.s32 $0x88, s3;
	s6 =	simm.s32 @!p1 $0x1082;
	[sflag:s4] =	ssyncset.s32 $0xFFFFF086  }
0x25: {  	[simem:s6], [sflag:s4] =	dma.local [hbm:s3], $0xF7A  }
0x26: {  	[smem:$0x3F98] =	sst s1;
	(tag) =	ssettag s2;
	_ =	strace s9  }
0x27: {  	s1 =	sld [smem:$0x3FA8]  }
0x28: {  	s2 =	sld [smem:$0x3FA9]  }
0x29: {  	s4 =	sld [smem:$0x3FAB]  }
0x2a: {  	p0 =	seq.s32 s5, $0x0;
	s5 =	sld [smem:$0x3FAC]  }
0x2b: {  	s6 =	sld [smem:$0x3FAD]  }
0x2c: {  	s7 =	sld [smem:$0x3FAE]  }
0x2d: {  	s3 =	simm.s32 $0x108;
	s8 =	sld [smem:$0x3FAF]  }
0x2e: {  	s3 =	simm.s32 @!p0 $0x1082;
	s9 =	sld [smem:$0x3FB0]  }
0x2f: {  	lr =	sadd.s32 s0, s3;
	s0 =	sld [smem:$0x3FA7]  }
0x30: {  	s3 =	sld [smem:$0x3FAA]  }
0x31: {  	[smem:$0x3FB3] =	sst s10  }
0x32: {  	s10 =	sld [smem:$0x3FB1];
	_ =	sdelay $0x3  }
0x33: {  	p0 =	seq.s32 s10, $0x1;
	s10 =	sld [smem:$0x3FB3];
	_ =	sdelay $0x3  }
0x34: {  	[smem:$0x3FB3] =	sst s10  }
0x35: {  	s10 =	sld [smem:$0x3FB2];
	_ =	sdelay $0x3  }
0x36: {  	p1 =	seq.s32 s10, $0x1;
	s10 =	sld [smem:$0x3FB3];
	_ =	sdelay $0x3  }
0x37: {  	[smem:$0x3FB3] =	sst s10  }
0x38: {  	s10 =	sld [smem:$0x3FB4]  }
0x39: {  	_ = 	snop;
	(pc) =	sbr.ind lr, $3  }
0x3a: {  	_ = 	snop  }
0x3b: {  	_ = 	snop  }
0x3c: {  	p2 =	seq.s32 s10, $0x1;
	s10 =	sld [smem:$0x3FB3]  }
0x3d: {  	_ =	shalt  }
0x3e: {  	_ =	shalt  }
0x3f: {  	_ =	shalt  }
0x40: {  	_ =	shalt  }
0x41: {  	_ =	shalt  }
0x42: {  	_ =	shalt  }
0x43: {  	_ =	shalt  }
0x44: {  	_ =	shalt  }
0x45: {  	_ =	shalt  }
0x46: {  	_ =	shalt  }
0x47: {  	_ =	shalt  }
0x48: {  	_ =	shalt  }
0x49: {  	_ =	shalt  }
0x4a: {  	_ =	shalt  }
0x4b: {  	_ =	shalt  }
0x4c: {  	_ =	shalt  }
0x4d: {  	_ =	shalt  }
0x4e: {  	_ =	shalt  }
0x4f: {  	_ =	shalt  }
0x50: {  	_ =	shalt  }
0x51: {  	_ =	shalt  }
0x52: {  	_ =	shalt  }
0x53: {  	_ =	shalt  }
0x54: {  	_ =	shalt  }
0x55: {  	_ =	shalt  }
0x56: {  	_ =	shalt  }
0x57: {  	_ =	shalt  }
0x58: {  	_ =	shalt  }
0x59: {  	_ =	shalt  }
0x5a: {  	_ =	shalt  }
0x5b: {  	_ =	shalt  }
0x5c: {  	_ =	shalt  }
0x5d: {  	_ =	shalt  }
0x5e: {  	_ =	shalt  }
0x5f: {  	_ =	shalt  }
0x60: {  	_ =	shalt  }
0x61: {  	_ =	shalt  }
0x62: {  	_ =	shalt  }
0x63: {  	_ =	shalt  }
0x64: {  	_ =	shalt  }
0x65: {  	_ =	shalt  }
0x66: {  	_ =	shalt  }
0x67: {  	_ =	shalt  }
0x68: {  	_ =	shalt  }
0x69: {  	_ =	shalt  }
0x6a: {  	_ =	shalt  }
0x6b: {  	_ =	shalt  }
0x6c: {  	_ =	shalt  }
0x6d: {  	_ =	shalt  }
0x6e: {  	_ =	shalt  }
0x6f: {  	_ =	shalt  }
0x70: {  	_ =	shalt  }
0x71: {  	_ =	shalt  }
0x72: {  	_ =	shalt  }
0x73: {  	_ =	shalt  }
0x74: {  	_ =	shalt  }
0x75: {  	_ =	shalt  }
0x76: {  	_ =	shalt  }
0x77: {  	_ =	shalt  }
0x78: {  	_ =	shalt  }
0x79: {  	_ =	shalt  }
0x7a: {  	_ =	shalt  }
0x7b: {  	_ =	shalt  }
0x7c: {  	_ =	shalt  }
0x7d: {  	_ =	shalt  }
0x7e: {  	_ =	shalt  }
0x7f: {  	_ =	shalt  }
0x80: {  	_ =	shalt  }
0x81: {  	_ =	shalt  }
0x82: {  	_ =	shalt  }
0x83: {  	_ =	shalt  }
0x84: {  	_ =	shalt  }
0x85: {  	_ =	shalt  }
0x86: {  	_ =	shalt  }
0x87: {  	_ =	shalt  }
.Lfunc_end0:
.L_simem_size_0:
called_computation.1_lowered:
.L_overlay_start_0:
0x88: {  	s2 =	sld [smem:$0x3FD9]  }
0x89: {  	s3 =	sld [smem:$0x3FFE];
	_ =	sdelay $0x1  }
0x8a: {  	s1 =	srdreg.scid  }
0x8b: {  	s0 =	sand.u32 $0x1, s1  }
0x8c: {  	s16 =	sshll.u32 s0, $0xA;
	s2 =	sadd.s32 s3, s2  }
0x8d: {  	s2 =	sadd.s32 s2, s16  }
0x8e: {  	[smem:$0x3FBF] =	sst s2  }
0x8f: {  	_ = 	snop  }
0x90: {  	(tm) =	ssettm $0x1  }
0x91: {  	s17 =	sld [smem:$0x3FFB];
	_ =	sdelay $0x3  }
0x92: {  	_ =	strace s17  }
0x93: {  	s2 =	sld [smem:$0x3FFC];
	_ =	sdelay $0x3  }
0x94: {  	_ =	strace s2  }
0x95: {  	s2 =	sld [smem:$0x3FFD];
	_ =	sdelay $0x3  }
0x96: {  	_ =	strace s2  }
0x97: {  	_ =	strace $0x8FFFFFFF  }
0x98: {  	s18 =	sld [smem:$0x3FDB];
	_ =	sdelay $0x1  }
0x99: {  	s19 =	simm.s32 $_scs_section_size  }
0x9a: {  	s4 =	simm.s32 $_size__tile_overlayer_lowered;
	s5 =	simm.s32 $_tile_overlayer_lowered  }
0x9b: {  	s22 =	simm.s32 $0x1BFF;
	s21 =	sshll.u32 s5, $0x1;
	s2 =	sadd.s32 s19, s18  }
0x9c: {  	s6 =	simm.s32 $0x0;
	s20 =	sshll.u32 s4, $0x1;
	s4 =	sadd.s32 s21, s2  }
0x9d: {  	[timem:s6], [sflag:s22] =	dma.local [hbm:s4], s20  }
0x9e: {  	_ =	swait.ge [sflag:s22], s20  }
0x9f: {  	s3 =	ssub.s32 $0x0, s20;
	[sflag:s22] =	ssyncset.done $0x0  }
0xa0: {  	[sflag:s22] =	ssyncadd.s32 s3;
	_ =	sdelay $0x1  }
0xa1: {  	s23 =	simm.s32 $0x1B8B  }
0xa2: {  	_ =	swait.ge [sflag:s23], $0x1  }
0xa3: {  	[sflag:s23] =	ssyncset.done $0x0  }
0xa4: {  	s25 =	simm.s32 $0x1B8E;
	s24 =	sld [smem:$0x3FFE];
	[sflag:s23] =	ssyncadd.s32 $0xFFFFFFFF  }
0xa5: {  	s26 =	simm.s32 $execute0_lowered;
	[smem:$0x3FD2] =	sst s25  }
0xa6: {  	s4 =	sshll.u32 s26, $0x1;
	_ =	strace $0x80000049;
	[dreg:$0x1] =	wrdreg $0xFFFFFFFF  }
0xa7: {  	s28 =	simm.s32 $_size_execute0_lowered;
	s2 =	sadd.s32 s2, s4;
	[dreg:$0x0] =	wrdreg $0x0  }
0xa8: {  	s4 =	sshll.u32 s28, $0x1;
	[dreg:$0x2] =	wrdreg s2  }
0xa9: {  	[dreg:$0x3] =	wrdreg s4  }
0xaa: {  	[dreg:$0x4] =	wrdreg $0xC0  }
0xab: {  	_ =	task [dreg:s6], $0x5FFFF  }
0xac: {  	[dreg:$0x1] =	wrdreg $0xFFFFFFFF  }
0xad: {  	[dreg:$0x0] =	wrdreg $0x60  }
0xae: {  	[dreg:$0x2] =	wrdreg s24  }
0xaf: {  	[dreg:$0x3] =	wrdreg $0x90000  }
0xb0: {  	[dreg:$0x4] =	wrdreg $0x9  }
0xb1: {  	_ =	task.clear_ibuf [dreg:s6], $0x5FFFF;
	_ =	strace $0x90000049  }
0xb2: {  	s29 =	simm.s32 $0x9;
	_ =	strace $0x8000004B  }
0xb3: {  	_ =	swait.ge [sflag:s29], $0x1  }
0xb4: {  	[sflag:s29] =	ssyncadd.s32 $0xFFFFFFFF  }
0xb5: {  	_ =	strace $0x9000004B  }
0xb6: {  	_ =	sfence  }
0xb7: {  	s30 =	sld [smem:$0x0];
	_ =	sdelay $0x2  }
0xb8: {  	s31 =	sshll.u32 s1, $0xD;
	s1 =	sshrl.u32 s1, $0x2  }
0xb9: {  	s3 =	sand.u32 $0x4000, s31;
	s1 =	sadd.s32 s1, s30  }
0xba: {  	s0 =	sor.u32 s3, s0;
	s1 =	sshll.u32 s1, $0x11  }
0xbb: {  	s0 =	sor.u32 s1, s0  }
0xbc: {  	s0 =	sadd.s32 $0x8F2B, s0  }
0xbd: {  	[sflag:s0] =	ssyncadd.remote.s32 $0x1  }
0xbe: {  	_ =	sfence.sel $0xFFFF  }
0xbf: {  	[dreg:$0x0] =	wrdreg $0xFFFFFFFF;
	(pc) =	sbr.abs _section_cstart, $3  }
0xc0: {  	[dreg:$0x1] =	wrdreg $0xFFFFFFFF  }
0xc1: {  	_ =	task.clear_ibuf [dreg:s6], $0x2FFFF;
	_ =	strace $0x9FFFFFFF  }
0xc2: {  	(tm) =	ssettm $0x7FFFFFFF  }
0xc3: {  	_ =	shalt  }
tec
execute0_lowered:
.L_overlay_start_1:
0x0: {  	(tag) =	ssettag $0x1  }
0x1: {  	s0 =	srdreg.scid;
	s6 =	rddreg [dreg:$0x0]  }
0x2: {  	s2 =	rddreg [dreg:$0x1];
	s1 =	stileid.u32  }
0x3: {  	s3 =	simm.s32 $0x0;
	s18 =	simm.s32 $0x5000;
	s19 =	simm.s32 $0x1  }
0x4: {  	s7 =	sand.u32 $0x1, s0;
	s0 =	rddreg [dreg:$0x2];
	s10 =	smul.u32 $0x4F000, s1  }
0x5: {  	[smem:$0x7FF] =	sst s3;
	s31 =	sshll.u32 s1, $0x6;
	s21 =	smul.u32 $0x2780, s1  }
0x6: {  	s4 =	sshll.u32 s7, $0x4;
	_ =	strace $0x8000004A;
	s29 =	ssub.s32 $0x2, s7  }
0x7: {  	s8 =	smul.u32 $0x27800, s7;
	s4 =	sor.u32 s1, s4;
	s7 =	sshrl.u32 s29, $0x1  }
0x8: {  	s30 =	sshrl.u32 s10, $0x2;
	s5 =	smul.u32 $0x500, s4;
	s4 =	sadd.s32 $0x2400, s6  }
0x9: {  	s11 =	sadd.s32 s8, s6;
	s12 =	ssub.s32 s29, s7;
	s13 =	sadd.s32 s30, s2  }
0xa: {  	s14 =	sadd.s32 $0x4000, s13;
	s15 =	sadd.s32 $0x8000, s13;
	s16 =	sadd.s32 $0xC000, s13  }
0xb: {  	s17 =	sadd.s32 $0x10000, s13;
	s20 =	sadd.s32 $0x6F800, s11;
	s10 =	sshrl.u32 s13, $0x3  }
0xc: {  	s11 =	simm.s32 $0x2;
	s9 =	sadd.s32 s5, s6;
	s5 =	sadd.s32 $0x29C00, s6  }
0xd: {  	s6 =	sor.u32 $0x1C02, s31;
	s13 =	sshrl.u32 s15, $0x3;
	s15 =	sshrl.u32 s17, $0x3  }
0xe: {  	s17 =	simm.s32 $0x80;
	s20 =	sadd.s32 s21, s20;
	s21 =	simm.s32 $0x0  }
0xf: {  	s7 =	sadd.s32 $0x65800, s9;
	s8 =	sadd.s32 $0x5B800, s9;
	s9 =	smax.u32 s12, $0x1  }
0x10: {  	s12 =	sshrl.u32 s14, $0x3;
	s14 =	sshrl.u32 s16, $0x3;
	s16 =	simm.s32 $0x2800  }
.LBB2_1:
0x11: {  	[spmem:s10], [sflag:s6] =	dma.local [hbm:s5], $0x800  }
0x12: {  	_ =	swait.ge [sflag:s11], $0x800  }
0x13: {  	[sflag:s11] =	ssyncset.done $0x0  }
0x14: {  	[sflag:s11] =	ssyncadd.s32 $0xFFFFF800  }
0x15: {  	[spmem:s12], [sflag:s6] =	dma.local [hbm:s5], $0x800  }
0x16: {  	_ =	swait.ge [sflag:s11], $0x800  }
0x17: {  	[sflag:s11] =	ssyncset.done $0x0  }
0x18: {  	[sflag:s11] =	ssyncadd.s32 $0xFFFFF800  }
0x19: {  	[spmem:s13], [sflag:s6] =	dma.local [hbm:s5], $0x800  }
0x1a: {  	_ =	swait.ge [sflag:s11], $0x800  }
0x1b: {  	[sflag:s11] =	ssyncset.done $0x0  }
0x1c: {  	[sflag:s11] =	ssyncadd.s32 $0xFFFFF800  }
0x1d: {  	[spmem:s14], [sflag:s6] =	dma.local [hbm:s5], $0x800  }
0x1e: {  	_ =	swait.ge [sflag:s11], $0x800  }
0x1f: {  	[sflag:s11] =	ssyncset.done $0x0  }
0x20: {  	[sflag:s11] =	ssyncadd.s32 $0xFFFFF800  }
0x21: {  	[spmem:s15], [sflag:s6] =	dma.local [hbm:s5], $0x780  }
0x22: {  	_ =	swait.ge [sflag:s11], $0x780  }
0x23: {  	[sflag:s11] =	ssyncset.done $0x0  }
0x24: {  	[sflag:s11] =	ssyncadd.s32 $0xFFFFF880  }
0x25: {  	[tilespmem:s3], [sflag:$0x2] =	stream.linear.gather [hbm4b:s7+s3], $0x2800, $0x38;
	[tilespmem:$0x1CC00] =	vst v63  }
0x26: {  	_ =	swait.ge [sflag:s11], $0x2800  }
0x27: {  	[sflag:s11] =	ssyncset.done $0x0  }
0x28: {  	[sflag:s11] =	ssyncadd.s32 $0xFFFFD800  }
0x29: {  	[tilespmem:s16], [sflag:$0x2] =	stream.linear.gather [hbm4b:s8+s3], $0x2800, $0x38;
	[tilespmem:$0x1CC00] =	vst v63  }
0x2a: {  	_ =	swait.ge [sflag:s11], $0x2800  }
0x2b: {  	[sflag:s11] =	ssyncset.done $0x0  }
0x2c: {  	[sflag:s11] =	ssyncadd.s32 $0xFFFFD800  }
0x2d: {  	s22 =	simm.s32 $0x0;
	[bflag:$0x0] =	sbarrier.arrive $0xFFFF  }
0x2e: {  	[tilespmem:s18], [sflag:$0x1] =	stream.indirect.gather [hbm4b:s4+s17], $0x80, s22, s17, $0xb8;
	[tilespmem:$0x1CC00] =	vst v63  }
0x2f: {  	_ =	swait.ge [sflag:s19], $0x4000  }
0x30: {  	[sflag:s19] =	ssyncset.done $0x0  }
0x31: {  	s31 =	simm.s32 $0x2800;
	[sflag:s19] =	ssyncadd.s32 $0xFFFFC000  }
0x32: {  	[spmem:s2] =	stream.indirect.scatter.add.f32 [tilespmem:s18], [sflag:$0x2], $0x80, s31, s17, $0xb8;
	[tilespmem:$0x1CC00] =	vst v63  }
0x33: {  	_ =	swait.ge [sflag:s11], $0x4000  }
0x34: {  	s23 =	simm.s32 $0x400;
	s22 =	simm.s32 $0x200;
	[sflag:s11] =	ssyncset.done $0x0  }
.LBB2_2:
0x35: {  	s24 =	sshra.s32 s22, $0x2  }
0x36: {  	[sflag:s11] =	ssyncadd.s32 $0xFFFFC000;
	s22 =	smov.u32 s23;
	s25 =	sadd.s32 $0x200, s23  }
0x37: {  	[tilespmem:s18], [sflag:$0x1] =	stream.indirect.gather [hbm4b:s4+s17], $0x80, s24, s17, $0xb8;
	[tilespmem:$0x1CC00] =	vst v63  }
0x38: {  	p0 =	sne.s32 s23, $0x9E00;
	_ =	swait.ge [sflag:s19], $0x4000  }
.Ltmp0:
0x39: {  	[sflag:s19] =	ssyncset.done $0x0;
	(pc) =	sbr.rel @p0 .LBB2_2-.Ltmp0, $4  }
0x3a: {  	s23 =	sadd.s32 $0x2800, s24;
	[sflag:s19] =	ssyncadd.s32 $0xFFFFC000  }
0x3b: {  	[spmem:s2] =	stream.indirect.scatter.add.f32 [tilespmem:s18], [sflag:$0x2], $0x80, s23, s17, $0xb8;
	[tilespmem:$0x1CC00] =	vst v63  }
0x3c: {  	_ =	swait.ge [sflag:s11], $0x4000  }
0x3d: {  	s23 =	smov.u32 s25;
	[sflag:s11] =	ssyncset.done $0x0  }
0x3e: {  	s22 =	sshra.s32 s22, $0x2;
	[sflag:s11] =	ssyncadd.s32 $0xFFFFC000  }
0x3f: {  	[tilespmem:s18], [sflag:$0x1] =	stream.indirect.gather [hbm4b:s4+s17], $0x80, s22, s17, $0xb8;
	[tilespmem:$0x1CC00] =	vst v63  }
0x40: {  	_ =	swait.ge [sflag:s19], $0x4000  }
0x41: {  	[sflag:s19] =	ssyncset.done $0x0  }
0x42: {  	s22 =	sadd.s32 $0x2800, s22;
	[sflag:s19] =	ssyncadd.s32 $0xFFFFC000  }
0x43: {  	[spmem:s2] =	stream.indirect.scatter.add.f32 [tilespmem:s18], [sflag:$0x2], $0x80, s22, s17, $0xb8;
	[tilespmem:$0x1CC00] =	vst v63  }
0x44: {  	_ =	swait.ge [sflag:s11], $0x4000  }
0x45: {  	s21 =	sadd.s32 $0x1, s21;
	[sflag:s11] =	ssyncset.done $0x0  }
0x46: {  	p0 =	sne.s32 s21, s9;
	[sflag:s11] =	ssyncadd.s32 $0xFFFFC000  }
.Ltmp1:
0x47: {  	[bflag:$0x0] =	sbarrier.arrive $0xFFFF;
	(pc) =	sbr.rel @p0 .LBB2_1-.Ltmp1, $4  }
0x48: {  	[hbm:s20], [sflag:s6] =	dma.local [spmem:s10], $0x2780  }
0x49: {  	_ =	swait.ge [sflag:s11], $0x2780  }
0x4a: {  	[sflag:s11] =	ssyncset.done $0x0  }
0x4b: {  	[sflag:s11] =	ssyncadd.s32 $0xFFFFD880  }
0x4c: {  	_ =	sfence.sel $0x180000  }
0x4d: {  	[bflag:$0x0] =	sbarrier.arrive $0xFFFF  }
0x4e: {  	p0 =	sne.s32 s1, $0x0;
	_ =	strace $0x9000004A  }
0x4f: {  	s0 =	sadd.s32 @!p0 $0x100000, s0;
	[bflag:$0x2] =	sbarrier.arrive $0xFFFF  }
0x50: {  	[sflag:s0] =	ssyncadd.tile.s32 @!p0 $0x1;
	_ =	shalt  }
.Lfunc_end2:
_tile_overlayer_lowered:
.L_overlay_start_2:
0x51: {  	(tag) =	ssettag $0x2  }
0x52: {  	s0 =	rddreg [dreg:$0x0];
	s2 =	stileid.u32  }
0x53: {  	s1 =	rddreg [dreg:$0x1];
	p0 =	sne.s32 s2, $0x0  }
0x54: {  	s3 =	rddreg [dreg:$0x2];
	[bflag:$0x3] =	sbarrier.arrive $0xFFFF;
	s2 =	simm.s32 @!p0 $0x1C02  }
0x55: {  	[timem:s3], [sflag:s2] =	dma.local @!p0 [hbm:s0], s1  }
0x56: {  	s0 =	simm.s32 @!p0 $0x2  }
0x57: {  	_ =	swait.ge @!p0 [sflag:s0], s1  }
0x58: {  	s1 =	ssub.s32 @!p0 $0x0, s1;
	[sflag:s0] =	ssyncset.done @!p0 $0x0  }
0x59: {  	[sflag:s0] =	ssyncadd.s32 @!p0 s1  }
0x5a: {  	[bflag:$0x3] =	sbarrier.arrive $0xFFFF  }
0x5b: {  	_ =	shalt  }

</sc_bundles>
